<compile_context>
chip_gen: v7x
topology: tpu7x:2x2x1
jax: 0.10.2.dev20260603
libtpu: 0.0.44.dev20260713+nightly
codegen_flags: <defaults>
</compile_context>

<pallas_src>
import functools

import jax
import jax.numpy as jnp
from jax import lax
from jax.experimental import pallas as pl
from jax.experimental.pallas import tpu as pltpu
from jax.experimental.pallas import tpu_sc as plsc

_L = 16
_N_CORES = 2
_N_SUB = 16
_CH = 128
_CHO = 80


@functools.lru_cache(maxsize=None)
def _make_count(n_edges: int, dst_size: int):
    assert n_edges % _CH == 0
    n_chunks = n_edges // _CH
    per_tile = -(-n_chunks // _N_SUB)
    assert dst_size % _CHO == 0
    out_chunks = dst_size // _CHO
    opt_per_tile = -(-out_chunks // _N_SUB)
    init_full = dst_size // _CH
    init_tail = dst_size - init_full * _CH
    init_per_tile = -(-init_full // _N_SUB)

    mesh = plsc.VectorSubcoreMesh(
        core_axis_name="c", subcore_axis_name="s",
        num_cores=_N_CORES, num_subcores=_N_SUB,
    )

    @functools.partial(
        pl.kernel,
        out_type=jax.ShapeDtypeStruct((dst_size, _L), jnp.float32),
        mesh=mesh,
        scratch_types=[
            pltpu.VMEM_SHARED((dst_size, _L), jnp.float32),
            pltpu.VMEM((_CH,), jnp.int32),
            pltpu.VMEM((_CH,), jnp.int32),
            pltpu.VMEM((_CH, _L), jnp.float32),
            pltpu.SemaphoreType.DMA,
            pltpu.SemaphoreType.DMA,
        ],
        compiler_params=pltpu.CompilerParams(use_tc_tiling_on_sc=False),
    )
    def count_k(idx_hbm, cnt_hbm, cnt, idx0, idx1, ones_v, sem0, sem1):
        c = lax.axis_index("c")
        s = lax.axis_index("s")

        @pl.when(c == 0)
        def _():
            zeros = jnp.zeros((_L,), jnp.float32)
            ones = jnp.ones((_L,), jnp.float32)

            def fill_zero(r, carry):
                ones_v[r] = zeros
                return carry
            lax.fori_loop(0, _CH, fill_zero, 0)

            def init_cnt(j, carry):
                cid = s + _N_SUB * j
                @pl.when(cid < init_full)
                def _():
                    pltpu.sync_copy(ones_v, cnt.at[pl.ds(cid * _CH, _CH)])
                return carry
            lax.fori_loop(0, init_per_tile, init_cnt, 0)
            if init_tail:
                @pl.when(s == 0)
                def _():
                    pltpu.sync_copy(ones_v.at[pl.ds(0, init_tail)],
                                    cnt.at[pl.ds(init_full * _CH, init_tail)])

            def fill_one(r, carry):
                ones_v[r] = ones
                return carry
            lax.fori_loop(0, _CH, fill_one, 0)

            plsc.subcore_barrier()

            def valid(j):
                return (s + _N_SUB * j) < n_chunks

            def issue(j, idx_v, sem):
                base = (s + _N_SUB * j) * _CH
                pltpu.async_copy(idx_hbm.at[pl.ds(base, _CH)], idx_v, sem)

            def wait(j, idx_v, sem):
                base = (s + _N_SUB * j) * _CH
                pltpu.make_async_copy(idx_hbm.at[pl.ds(base, _CH)], idx_v,
                                      sem).wait()

            @pl.when(valid(0))
            def _():
                issue(0, idx0, sem0)

            def step(j, carry):
                def do(idx_v, sem, idx_n, sem_n):
                    @pl.when(valid(j + 1))
                    def _():
                        issue(j + 1, idx_n, sem_n)
                    @pl.when(valid(j))
                    def _():
                        wait(j, idx_v, sem)
                        pltpu.sync_copy(ones_v, cnt.at[idx_v], add=True)

                @pl.when(j % 2 == 0)
                def _():
                    do(idx0, sem0, idx1, sem1)
                @pl.when(j % 2 == 1)
                def _():
                    do(idx1, sem1, idx0, sem0)
                return carry
            lax.fori_loop(0, per_tile, step, 0)

            plsc.subcore_barrier()

            def copy_out(j, carry):
                cid = s + _N_SUB * j
                @pl.when(cid < out_chunks)
                def _():
                    base = cid * _CHO
                    pltpu.sync_copy(cnt.at[pl.ds(base, _CHO)],
                                    cnt_hbm.at[pl.ds(base, _CHO)])
                return carry
            lax.fori_loop(0, opt_per_tile, copy_out, 0)

    return count_k


@functools.lru_cache(maxsize=None)
def _make_pool(n_edges: int, d_feat: int, dst_size: int):
    assert d_feat % (_N_CORES * _L) == 0
    d_half = d_feat // _N_CORES
    assert n_edges % _CH == 0
    n_chunks = n_edges // _CH
    acc_per_tile = -(-n_chunks // _N_SUB)
    assert dst_size % _CHO == 0
    out_chunks = dst_size // _CHO
    opt_per_tile = -(-out_chunks // _N_SUB)
    init_full = dst_size // _CH
    init_tail = dst_size - init_full * _CH
    init_per_tile = -(-init_full // _N_SUB)
    n_cc = d_half // _L

    mesh = plsc.VectorSubcoreMesh(
        core_axis_name="c", subcore_axis_name="s",
        num_cores=_N_CORES, num_subcores=_N_SUB,
    )

    @functools.partial(
        pl.kernel,
        out_type=jax.ShapeDtypeStruct((dst_size, d_feat), jnp.float32),
        mesh=mesh,
        scratch_types=[
            pltpu.VMEM_SHARED((dst_size, d_half), jnp.float32),
            pltpu.VMEM((_CH,), jnp.int32),
            pltpu.VMEM((_CH,), jnp.int32),
            pltpu.VMEM((_CH, d_half), jnp.float32),
            pltpu.VMEM((_CH, d_half), jnp.float32),
            pltpu.VMEM((_CHO, _L), jnp.float32),
            pltpu.SemaphoreType.DMA,
            pltpu.SemaphoreType.DMA,
        ],
    )
    def pool(x_hbm, idx_hbm, cnt_hbm, out_hbm,
             acc, idx0, idx1, xb0, xb1, cbuf, sem0, sem1):
        c = lax.axis_index("c")
        s = lax.axis_index("s")
        zeros = jnp.zeros((_L,), jnp.float32)
        ones = jnp.ones((_L,), jnp.float32)
        col0 = c * d_half

        def fill_zero(r, carry):
            for cc in range(n_cc):
                xb0[r, pl.ds(cc * _L, _L)] = zeros
            return carry
        lax.fori_loop(0, _CH, fill_zero, 0)

        def init_acc(j, carry):
            cid = s + _N_SUB * j
            @pl.when(cid < init_full)
            def _():
                pltpu.sync_copy(xb0, acc.at[pl.ds(cid * _CH, _CH)])
            return carry
        lax.fori_loop(0, init_per_tile, init_acc, 0)
        if init_tail:
            @pl.when(s == 0)
            def _():
                pltpu.sync_copy(xb0.at[pl.ds(0, init_tail)],
                                acc.at[pl.ds(init_full * _CH, init_tail)])

        plsc.subcore_barrier()

        def chunk_base(j):
            return (s + _N_SUB * j) * _CH

        def issue_loads(j, idx_v, xb, sem):
            base = chunk_base(j)
            pltpu.async_copy(idx_hbm.at[pl.ds(base, _CH)], idx_v, sem)
            pltpu.async_copy(x_hbm.at[pl.ds(base, _CH), pl.ds(col0, d_half)],
                             xb, sem)

        def wait_loads(j, idx_v, xb, sem):
            base = chunk_base(j)
            pltpu.make_async_copy(idx_hbm.at[pl.ds(base, _CH)], idx_v, sem).wait()
            pltpu.make_async_copy(x_hbm.at[pl.ds(base, _CH), pl.ds(col0, d_half)],
                                  xb, sem).wait()

        def valid(j):
            return (s + _N_SUB * j) < n_chunks

        @pl.when(valid(0))
        def _():
            issue_loads(0, idx0, xb0, sem0)

        def step(j, carry):
            def do(idx_v, xb, sem, idx_n, xb_n, sem_n):
                @pl.when(valid(j + 1))
                def _():
                    issue_loads(j + 1, idx_n, xb_n, sem_n)
                @pl.when(valid(j))
                def _():
                    wait_loads(j, idx_v, xb, sem)
                    pltpu.sync_copy(xb, acc.at[idx_v], add=True)

            @pl.when(j % 2 == 0)
            def _():
                do(idx0, xb0, sem0, idx1, xb1, sem1)
            @pl.when(j % 2 == 1)
            def _():
                do(idx1, xb1, sem1, idx0, xb0, sem0)
            return carry
        lax.fori_loop(0, acc_per_tile, step, 0)

        plsc.subcore_barrier()

        eps = jnp.full((_L,), 1e-8, jnp.float32)

        def norm(j, carry):
            cid = s + _N_SUB * j
            @pl.when(cid < out_chunks)
            def _():
                base = cid * _CHO
                pltpu.sync_copy(acc.at[pl.ds(base, _CHO)], xb0.at[pl.ds(0, _CHO)])
                pltpu.sync_copy(cnt_hbm.at[pl.ds(base, _CHO)], cbuf)

                def nrow(r, carry2):
                    rcp = ones / (cbuf[r] + eps)
                    for cc in range(n_cc):
                        sl = pl.ds(cc * _L, _L)
                        xb0[r, sl] = xb0[r, sl] * rcp
                    return carry2
                lax.fori_loop(0, _CHO, nrow, 0)
                pltpu.sync_copy(xb0.at[pl.ds(0, _CHO)],
                                out_hbm.at[pl.ds(base, _CHO), pl.ds(col0, d_half)])
            return carry
        lax.fori_loop(0, opt_per_tile, norm, 0)

    return pool


def kernel(x, dst_idx, dst_size):
    n_edges, d_feat = x.shape
    try:
        dst_size_int = int(dst_size)
    except (TypeError, jax.errors.ConcretizationTypeError):
        dst_size_int = 10000
    idx32 = dst_idx.astype(jnp.int32)
    cnt = _make_count(n_edges, dst_size_int)(idx32)
    return _make_pool(n_edges, d_feat, dst_size_int)(x, idx32, cnt)

# --- scband reference (transcript-rebuilt; emitter-appended) ---
"""Pipeline reference for scband-average-pooling-39127152066612 (READ-ONLY COPY).

The authoritative reference and input builder live on the scoring server;
editing this copy changes nothing except your own understanding.
"""

import jax, jax.numpy as jnp
import numpy as np

N_EDGES = 160000
D_FEAT = 256
DST_SIZE = 10000

def setup_inputs(seed: int = 0) -> dict:
    key = jax.random.key(seed)
    k1, k2 = jax.random.split(key)
    x = jax.random.normal(k1, (N_EDGES, D_FEAT), dtype=jnp.float32)
    dst_idx = jnp.sort(jax.random.randint(k2, (N_EDGES,), 0, DST_SIZE, dtype=jnp.int64))
    return {"x": x, "dst_idx": dst_idx, "dst_size": DST_SIZE}

def reference(x, dst_idx, dst_size):
    base = jnp.zeros((DST_SIZE,) + x.shape[1:], dtype=x.dtype) * dst_size
    out = base.at[dst_idx].add(x)
    nmr = base.at[dst_idx].add(jnp.ones_like(x))
    return out / (nmr + 1e-08)

if __name__ == "__main__":
    import jax
    _d = setup_inputs()
    print(jax.jit(kernel)(*tuple(_d.values())))

</pallas_src>

<mosaic_0001>
#map = affine_map<(d0, d1) -> (0)>
#map1 = affine_map<(d0, d1) -> (0, 0)>
module attributes {stable_mosaic.version = 14 : i64} {
  func.func @count_k(%arg0: i32, %arg1: i32, %arg2: memref<160000xi32, #tpu.memory_space<hbm>>, %arg3: memref<10000x16xf32, #tpu.memory_space<hbm>>, %arg4: memref<10000x16xf32, #tpu.memory_space<vmem_shared>>, %arg5: memref<128xi32, #tpu.memory_space<vmem>>, %arg6: memref<128xi32, #tpu.memory_space<vmem>>, %arg7: memref<128x16xf32, #tpu.memory_space<vmem>>, %arg8: memref<!tpu.dma_semaphore, #tpu.memory_space<semaphore_mem>>, %arg9: memref<!tpu.dma_semaphore, #tpu.memory_space<semaphore_mem>>) attributes {dimension_semantics = [#tpu.dimension_semantics<core_parallel>, #tpu.dimension_semantics<subcore_parallel>], iteration_bounds = array<i64: 2, 16>, scalar_prefetch = 0 : i64, scratch_operands = 6 : i64, tpu.core_type = #tpu.core_type<sc_vector_subcore>, window_params = [{transform_indices = #map}, {transform_indices = #map1}]} {
    %eq3A = arith.constant 0 : i32
    %eq3A_0 = arith.cmpi eq, %arg0, %eq3A : i32
    %convert_element_type3A = arith.extui %eq3A_0 : i1 to i32
    %cond3A = arith.constant 0 : i32
    %cond3A_1 = arith.cmpi ne, %convert_element_type3A, %cond3A : i32
    scf.if %cond3A_1 {
      %broadcast_in_dim3A = arith.constant 0.000000e+00 : f32
      %broadcast_in_dim3A_2 = vector.broadcast %broadcast_in_dim3A : f32 to vector<16xf32>
      %broadcast_in_dim3A_3 = arith.constant 1.000000e+00 : f32
      %broadcast_in_dim3A_4 = vector.broadcast %broadcast_in_dim3A_3 : f32 to vector<16xf32>
      %scan3A = arith.constant 0 : i32
      %scan3A_5 = arith.constant 0 : i32
      %scan3A_6 = arith.constant 128 : i32
      %scan3A_7 = arith.addi %scan3A_5, %scan3A_6 : i32
      %scan3A_8 = arith.constant 1 : i32
      scf.for %scan3A_45 = %scan3A_5 to %scan3A_7 step %scan3A_8  : i32 {
        %swap3A = arith.index_cast %scan3A_45 : i32 to index
        %swap3A_46 = arith.constant 0 : index
        %swap3A_47 = tpu.vector_load %arg7[%swap3A, %swap3A_46] {strides = array<i32>} : memref<128x16xf32, #tpu.memory_space<vmem>>, vector<1x16xf32>,
        %swap3A_48 = vector.shape_cast %swap3A_47 : vector<1x16xf32> to vector<16xf32>
        %swap3A_49 = vector.shape_cast %broadcast_in_dim3A_2 : vector<16xf32> to vector<1x16xf32>
        tpu.vector_store %arg7[%swap3A, %swap3A_46], %swap3A_49 {strides = array<i32>} : memref<128x16xf32, #tpu.memory_space<vmem>>, vector<1x16xf32>,
      }
      %scan3A_9 = arith.constant 128 : i32
      %scan3A_10 = arith.constant 0 : i32
      %scan3A_11 = arith.constant 0 : i32
      %scan3A_12 = arith.constant 5 : i32
      %scan3A_13 = arith.addi %scan3A_11, %scan3A_12 : i32
      %scan3A_14 = arith.constant 1 : i32
      scf.for %scan3A_45 = %scan3A_11 to %scan3A_13 step %scan3A_14  : i32 {
        %mul3A = arith.constant 16 : i32
        %mul3A_46 = arith.muli %mul3A, %scan3A_45 : i32
        %add3A_47 = arith.addi %arg1, %mul3A_46 : i32
        %lt3A_48 = arith.constant 78 : i32
        %lt3A_49 = arith.cmpi slt, %add3A_47, %lt3A_48 : i32
        %convert_element_type3A_50 = arith.extui %lt3A_49 : i1 to i32
        %cond3A_51 = arith.constant 0 : i32
        %cond3A_52 = arith.cmpi ne, %convert_element_type3A_50, %cond3A_51 : i32
        scf.if %cond3A_52 {
          %mul3A_53 = arith.constant 128 : i32
          %mul3A_54 = arith.muli %add3A_47, %mul3A_53 : i32
          "tpu.region"() ({
            %run_scoped3A = tpu.sem_alloc : memref<!tpu.dma_semaphore, #tpu.memory_space<semaphore_mem>>
            %dma_start3A = arith.constant 0 : i32
            %dma_start3A_55 = tpu.memref_slice %arg4[%mul3A_54, %dma_start3A] : memref<10000x16xf32, #tpu.memory_space<vmem_shared>> -> memref<128x16xf32, #tpu.memory_space<vmem_shared>>
            %dma_start3A_56 = arith.constant 0 : i32
            %dma_start3A_57 = tpu.memref_slice %arg4[%mul3A_54, %dma_start3A_56] : memref<10000x16xf32, #tpu.memory_space<vmem_shared>> -> memref<128x16xf32, #tpu.memory_space<vmem_shared>>
            tpu.enqueue_dma source(%arg7 : memref<128x16xf32, #tpu.memory_space<vmem>>) target(%dma_start3A_57 : memref<128x16xf32, #tpu.memory_space<vmem_shared>>) target_semaphore(%run_scoped3A : memref<!tpu.dma_semaphore, #tpu.memory_space<semaphore_mem>>)
            %dma_wait3A = arith.constant 0 : i32
            %dma_wait3A_58 = tpu.memref_slice %arg4[%mul3A_54, %dma_wait3A] : memref<10000x16xf32, #tpu.memory_space<vmem_shared>> -> memref<128x16xf32, #tpu.memory_space<vmem_shared>>
            %dma_wait3A_59 = arith.constant 0 : i32
            %dma_wait3A_60 = tpu.memref_slice %arg4[%mul3A_54, %dma_wait3A_59] : memref<10000x16xf32, #tpu.memory_space<vmem_shared>> -> memref<128x16xf32, #tpu.memory_space<vmem_shared>>
            tpu.wait_dma2 semaphore(%run_scoped3A : memref<!tpu.dma_semaphore, #tpu.memory_space<semaphore_mem>>) src(%arg7 : memref<128x16xf32, #tpu.memory_space<vmem>>) dst(%dma_wait3A_60 : memref<128x16xf32, #tpu.memory_space<vmem_shared>>)
            tpu.yield
          }) : () -> ()
        } else {
        }
      }
      %scan3A_15 = arith.constant 5 : i32
      %eq3A_16 = arith.constant 0 : i32
      %eq3A_17 = arith.cmpi eq, %arg1, %eq3A_16 : i32
      %convert_element_type3A_18 = arith.extui %eq3A_17 : i1 to i32
      %cond3A_19 = arith.constant 0 : i32
      %cond3A_20 = arith.cmpi ne, %convert_element_type3A_18, %cond3A_19 : i32
      scf.if %cond3A_20 {
        "tpu.region"() ({
          %run_scoped3A = tpu.sem_alloc : memref<!tpu.dma_semaphore, #tpu.memory_space<semaphore_mem>>
          %dma_start3A = arith.constant 0 : i32
          %dma_start3A_45 = arith.constant 0 : i32
          %dma_start3A_46 = tpu.memref_slice %arg7[%dma_start3A, %dma_start3A_45] : memref<128x16xf32, #tpu.memory_space<vmem>> -> memref<16x16xf32, #tpu.memory_space<vmem>>
          %dma_start3A_47 = arith.constant 9984 : i32
          %dma_start3A_48 = arith.constant 0 : i32
          %dma_start3A_49 = tpu.memref_slice %arg4[%dma_start3A_47, %dma_start3A_48] : memref<10000x16xf32, #tpu.memory_space<vmem_shared>> -> memref<16x16xf32, #tpu.memory_space<vmem_shared>>
          %dma_start3A_50 = arith.constant 9984 : i32
          %dma_start3A_51 = arith.constant 0 : i32
          %dma_start3A_52 = tpu.memref_slice %arg4[%dma_start3A_50, %dma_start3A_51] : memref<10000x16xf32, #tpu.memory_space<vmem_shared>> -> memref<16x16xf32, #tpu.memory_space<vmem_shared>>
          %dma_start3A_53 = arith.constant 0 : i32
          %dma_start3A_54 = arith.constant 0 : i32
          %dma_start3A_55 = tpu.memref_slice %arg7[%dma_start3A_53, %dma_start3A_54] : memref<128x16xf32, #tpu.memory_space<vmem>> -> memref<16x16xf32, #tpu.memory_space<vmem>>
          tpu.enqueue_dma source(%dma_start3A_55 : memref<16x16xf32, #tpu.memory_space<vmem>>) target(%dma_start3A_52 : memref<16x16xf32, #tpu.memory_space<vmem_shared>>) target_semaphore(%run_scoped3A : memref<!tpu.dma_semaphore, #tpu.memory_space<semaphore_mem>>)
          %dma_wait3A = arith.constant 0 : i32
          %dma_wait3A_56 = arith.constant 0 : i32
          %dma_wait3A_57 = tpu.memref_slice %arg7[%dma_wait3A, %dma_wait3A_56] : memref<128x16xf32, #tpu.memory_space<vmem>> -> memref<16x16xf32, #tpu.memory_space<vmem>>
          %dma_wait3A_58 = arith.constant 9984 : i32
          %dma_wait3A_59 = arith.constant 0 : i32
          %dma_wait3A_60 = tpu.memref_slice %arg4[%dma_wait3A_58, %dma_wait3A_59] : memref<10000x16xf32, #tpu.memory_space<vmem_shared>> -> memref<16x16xf32, #tpu.memory_space<vmem_shared>>
          %dma_wait3A_61 = arith.constant 9984 : i32
          %dma_wait3A_62 = arith.constant 0 : i32
          %dma_wait3A_63 = tpu.memref_slice %arg4[%dma_wait3A_61, %dma_wait3A_62] : memref<10000x16xf32, #tpu.memory_space<vmem_shared>> -> memref<16x16xf32, #tpu.memory_space<vmem_shared>>
          %dma_wait3A_64 = arith.constant 0 : i32
          %dma_wait3A_65 = arith.constant 0 : i32
          %dma_wait3A_66 = tpu.memref_slice %arg7[%dma_wait3A_64, %dma_wait3A_65] : memref<128x16xf32, #tpu.memory_space<vmem>> -> memref<16x16xf32, #tpu.memory_space<vmem>>
          tpu.wait_dma2 semaphore(%run_scoped3A : memref<!tpu.dma_semaphore, #tpu.memory_space<semaphore_mem>>) src(%dma_wait3A_66 : memref<16x16xf32, #tpu.memory_space<vmem>>) dst(%dma_wait3A_63 : memref<16x16xf32, #tpu.memory_space<vmem_shared>>)
          tpu.yield
        }) : () -> ()
      } else {
      }
      %scan3A_21 = arith.constant 0 : i32
      %scan3A_22 = arith.constant 0 : i32
      %scan3A_23 = arith.constant 128 : i32
      %scan3A_24 = arith.addi %scan3A_22, %scan3A_23 : i32
      %scan3A_25 = arith.constant 1 : i32
      scf.for %scan3A_45 = %scan3A_22 to %scan3A_24 step %scan3A_25  : i32 {
        %swap3A = arith.index_cast %scan3A_45 : i32 to index
        %swap3A_46 = arith.constant 0 : index
        %swap3A_47 = tpu.vector_load %arg7[%swap3A, %swap3A_46] {strides = array<i32>} : memref<128x16xf32, #tpu.memory_space<vmem>>, vector<1x16xf32>,
        %swap3A_48 = vector.shape_cast %swap3A_47 : vector<1x16xf32> to vector<16xf32>
        %swap3A_49 = vector.shape_cast %broadcast_in_dim3A_4 : vector<16xf32> to vector<1x16xf32>
        tpu.vector_store %arg7[%swap3A, %swap3A_46], %swap3A_49 {strides = array<i32>} : memref<128x16xf32, #tpu.memory_space<vmem>>, vector<1x16xf32>,
      }
      %scan3A_26 = arith.constant 128 : i32
      %barrier3A = arith.constant 0 : index
      tpu.barrier barrier_id(%barrier3A)
      %add3A = arith.constant 0 : i32
      %add3A_27 = arith.addi %arg1, %add3A : i32
      %lt3A = arith.constant 1250 : i32
      %lt3A_28 = arith.cmpi slt, %add3A_27, %lt3A : i32
      %convert_element_type3A_29 = arith.extui %lt3A_28 : i1 to i32
      %cond3A_30 = arith.constant 0 : i32
      %cond3A_31 = arith.cmpi ne, %convert_element_type3A_29, %cond3A_30 : i32
      scf.if %cond3A_31 {
        %add3A_45 = arith.constant 0 : i32
        %add3A_46 = arith.addi %arg1, %add3A_45 : i32
        %mul3A = arith.constant 128 : i32
        %mul3A_47 = arith.muli %add3A_46, %mul3A : i32
        %dma_start3A = tpu.memref_slice %arg2[%mul3A_47] : memref<160000xi32, #tpu.memory_space<hbm>> -> memref<128xi32, #tpu.memory_space<hbm>>
        %dma_start3A_48 = tpu.memref_slice %arg2[%mul3A_47] : memref<160000xi32, #tpu.memory_space<hbm>> -> memref<128xi32, #tpu.memory_space<hbm>>
        tpu.enqueue_dma source(%dma_start3A_48 : memref<128xi32, #tpu.memory_space<hbm>>) target(%arg5 : memref<128xi32, #tpu.memory_space<vmem>>) target_semaphore(%arg8 : memref<!tpu.dma_semaphore, #tpu.memory_space<semaphore_mem>>)
      } else {
      }
      %scan3A_32 = arith.constant 0 : i32
      %scan3A_33 = arith.constant 0 : i32
      %scan3A_34 = arith.constant 79 : i32
      %scan3A_35 = arith.addi %scan3A_33, %scan3A_34 : i32
      %scan3A_36 = arith.constant 1 : i32
      scf.for %scan3A_45 = %scan3A_33 to %scan3A_35 step %scan3A_36  : i32 {
        %jit3A = arith.constant 2 : i32
        %eq3A_46 = arith.constant 0 : i32
        %eq3A_47 = arith.cmpi eq, %jit3A, %eq3A_46 : i32
        %jit3A_48 = arith.constant 1 : i32
        %select_n3A = arith.select %eq3A_47, %jit3A_48, %jit3A : i32
        %rem3A = arith.remsi %scan3A_45, %select_n3A : i32
        %ne3A = arith.constant 0 : i32
        %ne3A_49 = arith.cmpi ne, %rem3A, %ne3A : i32
        %lt3A_50 = arith.constant 0 : i32
        %lt3A_51 = arith.cmpi slt, %rem3A, %lt3A_50 : i32
        %lt3A_52 = arith.constant 0 : i32
        %lt3A_53 = arith.cmpi slt, %select_n3A, %lt3A_52 : i32
        %ne3A_54 = arith.xori %lt3A_51, %lt3A_53 : i1
        %and3A = arith.andi %ne3A_54, %ne3A_49 : i1
        %add3A_55 = arith.addi %rem3A, %select_n3A : i32
        %select_n3A_56 = arith.select %and3A, %add3A_55, %rem3A : i32
        %eq3A_57 = arith.constant 0 : i32
        %eq3A_58 = arith.cmpi eq, %select_n3A_56, %eq3A_57 : i32
        %convert_element_type3A_59 = arith.extui %eq3A_58 : i1 to i32
        %cond3A_60 = arith.constant 0 : i32
        %cond3A_61 = arith.cmpi ne, %convert_element_type3A_59, %cond3A_60 : i32
        scf.if %cond3A_61 {
          %add3A_83 = arith.constant 1 : i32
          %add3A_84 = arith.addi %scan3A_45, %add3A_83 : i32
          %mul3A = arith.constant 16 : i32
          %mul3A_85 = arith.muli %mul3A, %add3A_84 : i32
          %add3A_86 = arith.addi %arg1, %mul3A_85 : i32
          %lt3A_87 = arith.constant 1250 : i32
          %lt3A_88 = arith.cmpi slt, %add3A_86, %lt3A_87 : i32
          %convert_element_type3A_89 = arith.extui %lt3A_88 : i1 to i32
          %cond3A_90 = arith.constant 0 : i32
          %cond3A_91 = arith.cmpi ne, %convert_element_type3A_89, %cond3A_90 : i32
          scf.if %cond3A_91 {
            %add3A_100 = arith.constant 1 : i32
            %add3A_101 = arith.addi %scan3A_45, %add3A_100 : i32
            %mul3A_102 = arith.constant 16 : i32
            %mul3A_103 = arith.muli %mul3A_102, %add3A_101 : i32
            %add3A_104 = arith.addi %arg1, %mul3A_103 : i32
            %mul3A_105 = arith.constant 128 : i32
            %mul3A_106 = arith.muli %add3A_104, %mul3A_105 : i32
            %dma_start3A = tpu.memref_slice %arg2[%mul3A_106] : memref<160000xi32, #tpu.memory_space<hbm>> -> memref<128xi32, #tpu.memory_space<hbm>>
            %dma_start3A_107 = tpu.memref_slice %arg2[%mul3A_106] : memref<160000xi32, #tpu.memory_space<hbm>> -> memref<128xi32, #tpu.memory_space<hbm>>
            tpu.enqueue_dma source(%dma_start3A_107 : memref<128xi32, #tpu.memory_space<hbm>>) target(%arg6 : memref<128xi32, #tpu.memory_space<vmem>>) target_semaphore(%arg9 : memref<!tpu.dma_semaphore, #tpu.memory_space<semaphore_mem>>)
          } else {
          }
          %mul3A_92 = arith.constant 16 : i32
          %mul3A_93 = arith.muli %mul3A_92, %scan3A_45 : i32
          %add3A_94 = arith.addi %arg1, %mul3A_93 : i32
          %lt3A_95 = arith.constant 1250 : i32
          %lt3A_96 = arith.cmpi slt, %add3A_94, %lt3A_95 : i32
          %convert_element_type3A_97 = arith.extui %lt3A_96 : i1 to i32
          %cond3A_98 = arith.constant 0 : i32
          %cond3A_99 = arith.cmpi ne, %convert_element_type3A_97, %cond3A_98 : i32
          scf.if %cond3A_99 {
            %mul3A_100 = arith.constant 16 : i32
            %mul3A_101 = arith.muli %mul3A_100, %scan3A_45 : i32
            %add3A_102 = arith.addi %arg1, %mul3A_101 : i32
            %mul3A_103 = arith.constant 128 : i32
            %mul3A_104 = arith.muli %add3A_102, %mul3A_103 : i32
            %dma_wait3A = tpu.memref_slice %arg2[%mul3A_104] : memref<160000xi32, #tpu.memory_space<hbm>> -> memref<128xi32, #tpu.memory_space<hbm>>
            %dma_wait3A_105 = tpu.memref_slice %arg2[%mul3A_104] : memref<160000xi32, #tpu.memory_space<hbm>> -> memref<128xi32, #tpu.memory_space<hbm>>
            tpu.wait_dma2 semaphore(%arg8 : memref<!tpu.dma_semaphore, #tpu.memory_space<semaphore_mem>>) src(%dma_wait3A_105 : memref<128xi32, #tpu.memory_space<hbm>>) dst(%arg5 : memref<128xi32, #tpu.memory_space<vmem>>)
            "tpu.region"() ({
              %run_scoped3A = tpu.sem_alloc : memref<!tpu.dma_semaphore, #tpu.memory_space<semaphore_mem>>
              %dma_start3A = arith.constant 0 : i32
              %dma_start3A_106 = arith.constant 0 : i32
              %dma_start3A_107 = tpu.memref_slice %arg4[%dma_start3A, %dma_start3A_106] : memref<10000x16xf32, #tpu.memory_space<vmem_shared>> -> memref<10000x16xf32, #tpu.memory_space<vmem_shared>>
              tpu.enqueue_indirect_dma source(%arg7 : memref<128x16xf32, #tpu.memory_space<vmem>>) target(%dma_start3A_107 : memref<10000x16xf32, #tpu.memory_space<vmem_shared>>) offsets(%arg5 : memref<128xi32, #tpu.memory_space<vmem>>) semaphore(%run_scoped3A : memref<!tpu.dma_semaphore, #tpu.memory_space<semaphore_mem>>) {add = true}
              %dma_wait3A_108 = arith.constant 0 : i32
              %dma_wait3A_109 = arith.constant 0 : i32
              %dma_wait3A_110 = tpu.memref_slice %arg4[%dma_wait3A_108, %dma_wait3A_109] : memref<10000x16xf32, #tpu.memory_space<vmem_shared>> -> memref<10000x16xf32, #tpu.memory_space<vmem_shared>>
              tpu.wait_indirect_dma semaphore(%run_scoped3A : memref<!tpu.dma_semaphore, #tpu.memory_space<semaphore_mem>>) src(%arg7 : memref<128x16xf32, #tpu.memory_space<vmem>>) dst(%dma_wait3A_110 : memref<10000x16xf32, #tpu.memory_space<vmem_shared>>)
              tpu.yield
            }) : () -> ()
          } else {
          }
        } else {
        }
        %jit3A_62 = arith.constant 2 : i32
        %eq3A_63 = arith.constant 0 : i32
        %eq3A_64 = arith.cmpi eq, %jit3A_62, %eq3A_63 : i32
        %jit3A_65 = arith.constant 1 : i32
        %select_n3A_66 = arith.select %eq3A_64, %jit3A_65, %jit3A_62 : i32
        %rem3A_67 = arith.remsi %scan3A_45, %select_n3A_66 : i32
        %ne3A_68 = arith.constant 0 : i32
        %ne3A_69 = arith.cmpi ne, %rem3A_67, %ne3A_68 : i32
        %lt3A_70 = arith.constant 0 : i32
        %lt3A_71 = arith.cmpi slt, %rem3A_67, %lt3A_70 : i32
        %lt3A_72 = arith.constant 0 : i32
        %lt3A_73 = arith.cmpi slt, %select_n3A_66, %lt3A_72 : i32
        %ne3A_74 = arith.xori %lt3A_71, %lt3A_73 : i1
        %and3A_75 = arith.andi %ne3A_74, %ne3A_69 : i1
        %add3A_76 = arith.addi %rem3A_67, %select_n3A_66 : i32
        %select_n3A_77 = arith.select %and3A_75, %add3A_76, %rem3A_67 : i32
        %eq3A_78 = arith.constant 1 : i32
        %eq3A_79 = arith.cmpi eq, %select_n3A_77, %eq3A_78 : i32
        %convert_element_type3A_80 = arith.extui %eq3A_79 : i1 to i32
        %cond3A_81 = arith.constant 0 : i32
        %cond3A_82 = arith.cmpi ne, %convert_element_type3A_80, %cond3A_81 : i32
        scf.if %cond3A_82 {
          %add3A_83 = arith.constant 1 : i32
          %add3A_84 = arith.addi %scan3A_45, %add3A_83 : i32
          %mul3A = arith.constant 16 : i32
          %mul3A_85 = arith.muli %mul3A, %add3A_84 : i32
          %add3A_86 = arith.addi %arg1, %mul3A_85 : i32
          %lt3A_87 = arith.constant 1250 : i32
          %lt3A_88 = arith.cmpi slt, %add3A_86, %lt3A_87 : i32
          %convert_element_type3A_89 = arith.extui %lt3A_88 : i1 to i32
          %cond3A_90 = arith.constant 0 : i32
          %cond3A_91 = arith.cmpi ne, %convert_element_type3A_89, %cond3A_90 : i32
          scf.if %cond3A_91 {
            %add3A_100 = arith.constant 1 : i32
            %add3A_101 = arith.addi %scan3A_45, %add3A_100 : i32
            %mul3A_102 = arith.constant 16 : i32
            %mul3A_103 = arith.muli %mul3A_102, %add3A_101 : i32
            %add3A_104 = arith.addi %arg1, %mul3A_103 : i32
            %mul3A_105 = arith.constant 128 : i32
            %mul3A_106 = arith.muli %add3A_104, %mul3A_105 : i32
            %dma_start3A = tpu.memref_slice %arg2[%mul3A_106] : memref<160000xi32, #tpu.memory_space<hbm>> -> memref<128xi32, #tpu.memory_space<hbm>>
            %dma_start3A_107 = tpu.memref_slice %arg2[%mul3A_106] : memref<160000xi32, #tpu.memory_space<hbm>> -> memref<128xi32, #tpu.memory_space<hbm>>
            tpu.enqueue_dma source(%dma_start3A_107 : memref<128xi32, #tpu.memory_space<hbm>>) target(%arg5 : memref<128xi32, #tpu.memory_space<vmem>>) target_semaphore(%arg8 : memref<!tpu.dma_semaphore, #tpu.memory_space<semaphore_mem>>)
          } else {
          }
          %mul3A_92 = arith.constant 16 : i32
          %mul3A_93 = arith.muli %mul3A_92, %scan3A_45 : i32
          %add3A_94 = arith.addi %arg1, %mul3A_93 : i32
          %lt3A_95 = arith.constant 1250 : i32
          %lt3A_96 = arith.cmpi slt, %add3A_94, %lt3A_95 : i32
          %convert_element_type3A_97 = arith.extui %lt3A_96 : i1 to i32
          %cond3A_98 = arith.constant 0 : i32
          %cond3A_99 = arith.cmpi ne, %convert_element_type3A_97, %cond3A_98 : i32
          scf.if %cond3A_99 {
            %mul3A_100 = arith.constant 16 : i32
            %mul3A_101 = arith.muli %mul3A_100, %scan3A_45 : i32
            %add3A_102 = arith.addi %arg1, %mul3A_101 : i32
            %mul3A_103 = arith.constant 128 : i32
            %mul3A_104 = arith.muli %add3A_102, %mul3A_103 : i32
            %dma_wait3A = tpu.memref_slice %arg2[%mul3A_104] : memref<160000xi32, #tpu.memory_space<hbm>> -> memref<128xi32, #tpu.memory_space<hbm>>
            %dma_wait3A_105 = tpu.memref_slice %arg2[%mul3A_104] : memref<160000xi32, #tpu.memory_space<hbm>> -> memref<128xi32, #tpu.memory_space<hbm>>
            tpu.wait_dma2 semaphore(%arg9 : memref<!tpu.dma_semaphore, #tpu.memory_space<semaphore_mem>>) src(%dma_wait3A_105 : memref<128xi32, #tpu.memory_space<hbm>>) dst(%arg6 : memref<128xi32, #tpu.memory_space<vmem>>)
            "tpu.region"() ({
              %run_scoped3A = tpu.sem_alloc : memref<!tpu.dma_semaphore, #tpu.memory_space<semaphore_mem>>
              %dma_start3A = arith.constant 0 : i32
              %dma_start3A_106 = arith.constant 0 : i32
              %dma_start3A_107 = tpu.memref_slice %arg4[%dma_start3A, %dma_start3A_106] : memref<10000x16xf32, #tpu.memory_space<vmem_shared>> -> memref<10000x16xf32, #tpu.memory_space<vmem_shared>>
              tpu.enqueue_indirect_dma source(%arg7 : memref<128x16xf32, #tpu.memory_space<vmem>>) target(%dma_start3A_107 : memref<10000x16xf32, #tpu.memory_space<vmem_shared>>) offsets(%arg6 : memref<128xi32, #tpu.memory_space<vmem>>) semaphore(%run_scoped3A : memref<!tpu.dma_semaphore, #tpu.memory_space<semaphore_mem>>) {add = true}
              %dma_wait3A_108 = arith.constant 0 : i32
              %dma_wait3A_109 = arith.constant 0 : i32
              %dma_wait3A_110 = tpu.memref_slice %arg4[%dma_wait3A_108, %dma_wait3A_109] : memref<10000x16xf32, #tpu.memory_space<vmem_shared>> -> memref<10000x16xf32, #tpu.memory_space<vmem_shared>>
              tpu.wait_indirect_dma semaphore(%run_scoped3A : memref<!tpu.dma_semaphore, #tpu.memory_space<semaphore_mem>>) src(%arg7 : memref<128x16xf32, #tpu.memory_space<vmem>>) dst(%dma_wait3A_110 : memref<10000x16xf32, #tpu.memory_space<vmem_shared>>)
              tpu.yield
            }) : () -> ()
          } else {
          }
        } else {
        }
      }
      %scan3A_37 = arith.constant 79 : i32
      %barrier3A_38 = arith.constant 0 : index
      tpu.barrier barrier_id(%barrier3A_38)
      %scan3A_39 = arith.constant 0 : i32
      %scan3A_40 = arith.constant 0 : i32
      %scan3A_41 = arith.constant 8 : i32
      %scan3A_42 = arith.addi %scan3A_40, %scan3A_41 : i32
      %scan3A_43 = arith.constant 1 : i32
      scf.for %scan3A_45 = %scan3A_40 to %scan3A_42 step %scan3A_43  : i32 {
        %mul3A = arith.constant 16 : i32
        %mul3A_46 = arith.muli %mul3A, %scan3A_45 : i32
        %add3A_47 = arith.addi %arg1, %mul3A_46 : i32
        %lt3A_48 = arith.constant 125 : i32
        %lt3A_49 = arith.cmpi slt, %add3A_47, %lt3A_48 : i32
        %convert_element_type3A_50 = arith.extui %lt3A_49 : i1 to i32
        %cond3A_51 = arith.constant 0 : i32
        %cond3A_52 = arith.cmpi ne, %convert_element_type3A_50, %cond3A_51 : i32
        scf.if %cond3A_52 {
          %mul3A_53 = arith.constant 80 : i32
          %mul3A_54 = arith.muli %add3A_47, %mul3A_53 : i32
          "tpu.region"() ({
            %run_scoped3A = tpu.sem_alloc : memref<!tpu.dma_semaphore, #tpu.memory_space<semaphore_mem>>
            %dma_start3A = arith.constant 0 : i32
            %dma_start3A_55 = tpu.memref_slice %arg3[%mul3A_54, %dma_start3A] : memref<10000x16xf32, #tpu.memory_space<hbm>> -> memref<80x16xf32, #tpu.memory_space<hbm>>
            %dma_start3A_56 = arith.constant 0 : i32
            %dma_start3A_57 = tpu.memref_slice %arg4[%mul3A_54, %dma_start3A_56] : memref<10000x16xf32, #tpu.memory_space<vmem_shared>> -> memref<80x16xf32, #tpu.memory_space<vmem_shared>>
            tpu.enqueue_dma source(%dma_start3A_57 : memref<80x16xf32, #tpu.memory_space<vmem_shared>>) target(%dma_start3A_55 : memref<80x16xf32, #tpu.memory_space<hbm>>) target_semaphore(%run_scoped3A : memref<!tpu.dma_semaphore, #tpu.memory_space<semaphore_mem>>)
            %dma_wait3A = arith.constant 0 : i32
            %dma_wait3A_58 = tpu.memref_slice %arg3[%mul3A_54, %dma_wait3A] : memref<10000x16xf32, #tpu.memory_space<hbm>> -> memref<80x16xf32, #tpu.memory_space<hbm>>
            %dma_wait3A_59 = arith.constant 0 : i32
            %dma_wait3A_60 = tpu.memref_slice %arg4[%mul3A_54, %dma_wait3A_59] : memref<10000x16xf32, #tpu.memory_space<vmem_shared>> -> memref<80x16xf32, #tpu.memory_space<vmem_shared>>
            tpu.wait_dma2 semaphore(%run_scoped3A : memref<!tpu.dma_semaphore, #tpu.memory_space<semaphore_mem>>) src(%dma_wait3A_60 : memref<80x16xf32, #tpu.memory_space<vmem_shared>>) dst(%dma_wait3A_58 : memref<80x16xf32, #tpu.memory_space<hbm>>)
            tpu.yield
          }) : () -> ()
        } else {
        }
      }
      %scan3A_44 = arith.constant 8 : i32
    } else {
    }
    return
  }
}

#map = affine_map<(d0, d1) -> (0, 0)>
#map1 = affine_map<(d0, d1) -> (0)>
module attributes {stable_mosaic.version = 14 : i64} {
  func.func @pool(%arg0: i32, %arg1: i32, %arg2: memref<160000x256xf32, #tpu.memory_space<hbm>>, %arg3: memref<160000xi32, #tpu.memory_space<hbm>>, %arg4: memref<10000x16xf32, #tpu.memory_space<hbm>>, %arg5: memref<10000x256xf32, #tpu.memory_space<hbm>>, %arg6: memref<10000x128xf32, #tpu.memory_space<vmem_shared>>, %arg7: memref<128xi32, #tpu.memory_space<vmem>>, %arg8: memref<128xi32, #tpu.memory_space<vmem>>, %arg9: memref<128x128xf32, #tpu.memory_space<vmem>>, %arg10: memref<128x128xf32, #tpu.memory_space<vmem>>, %arg11: memref<80x16xf32, #tpu.memory_space<vmem>>, %arg12: memref<!tpu.dma_semaphore, #tpu.memory_space<semaphore_mem>>, %arg13: memref<!tpu.dma_semaphore, #tpu.memory_space<semaphore_mem>>) attributes {dimension_semantics = [#tpu.dimension_semantics<core_parallel>, #tpu.dimension_semantics<subcore_parallel>], iteration_bounds = array<i64: 2, 16>, scalar_prefetch = 0 : i64, scratch_operands = 8 : i64, tpu.core_type = #tpu.core_type<sc_vector_subcore>, window_params = [{transform_indices = #map}, {transform_indices = #map1}, {transform_indices = #map}, {transform_indices = #map}]} {
    %broadcast_in_dim3A = arith.constant 0.000000e+00 : f32
    %broadcast_in_dim3A_0 = vector.broadcast %broadcast_in_dim3A : f32 to vector<16xf32>
    %broadcast_in_dim3A_1 = arith.constant 1.000000e+00 : f32
    %broadcast_in_dim3A_2 = vector.broadcast %broadcast_in_dim3A_1 : f32 to vector<16xf32>
    %mul3A = arith.constant 128 : i32
    %mul3A_3 = arith.muli %arg0, %mul3A : i32
    %scan3A = arith.constant 0 : i32
    %scan3A_4 = arith.constant 0 : i32
    %scan3A_5 = arith.constant 128 : i32
    %scan3A_6 = arith.addi %scan3A_4, %scan3A_5 : i32
    %scan3A_7 = arith.constant 1 : i32
    scf.for %scan3A_37 = %scan3A_4 to %scan3A_6 step %scan3A_7  : i32 {
      %swap3A = arith.index_cast %scan3A_37 : i32 to index
      %swap3A_38 = arith.constant 0 : index
      %swap3A_39 = tpu.vector_load %arg9[%swap3A, %swap3A_38] {strides = array<i32>} : memref<128x128xf32, #tpu.memory_space<vmem>>, vector<1x16xf32>,
      %swap3A_40 = vector.shape_cast %swap3A_39 : vector<1x16xf32> to vector<16xf32>
      %swap3A_41 = vector.shape_cast %broadcast_in_dim3A_0 : vector<16xf32> to vector<1x16xf32>
      tpu.vector_store %arg9[%swap3A, %swap3A_38], %swap3A_41 {strides = array<i32>} : memref<128x128xf32, #tpu.memory_space<vmem>>, vector<1x16xf32>,
      %swap3A_42 = arith.index_cast %scan3A_37 : i32 to index
      %swap3A_43 = arith.constant 16 : index
      %swap3A_44 = tpu.vector_load %arg9[%swap3A_42, %swap3A_43] {strides = array<i32>} : memref<128x128xf32, #tpu.memory_space<vmem>>, vector<1x16xf32>,
      %swap3A_45 = vector.shape_cast %swap3A_44 : vector<1x16xf32> to vector<16xf32>
      %swap3A_46 = vector.shape_cast %broadcast_in_dim3A_0 : vector<16xf32> to vector<1x16xf32>
      tpu.vector_store %arg9[%swap3A_42, %swap3A_43], %swap3A_46 {strides = array<i32>} : memref<128x128xf32, #tpu.memory_space<vmem>>, vector<1x16xf32>,
      %swap3A_47 = arith.index_cast %scan3A_37 : i32 to index
      %swap3A_48 = arith.constant 32 : index
      %swap3A_49 = tpu.vector_load %arg9[%swap3A_47, %swap3A_48] {strides = array<i32>} : memref<128x128xf32, #tpu.memory_space<vmem>>, vector<1x16xf32>,
      %swap3A_50 = vector.shape_cast %swap3A_49 : vector<1x16xf32> to vector<16xf32>
      %swap3A_51 = vector.shape_cast %broadcast_in_dim3A_0 : vector<16xf32> to vector<1x16xf32>
      tpu.vector_store %arg9[%swap3A_47, %swap3A_48], %swap3A_51 {strides = array<i32>} : memref<128x128xf32, #tpu.memory_space<vmem>>, vector<1x16xf32>,
      %swap3A_52 = arith.index_cast %scan3A_37 : i32 to index
      %swap3A_53 = arith.constant 48 : index
      %swap3A_54 = tpu.vector_load %arg9[%swap3A_52, %swap3A_53] {strides = array<i32>} : memref<128x128xf32, #tpu.memory_space<vmem>>, vector<1x16xf32>,
      %swap3A_55 = vector.shape_cast %swap3A_54 : vector<1x16xf32> to vector<16xf32>
      %swap3A_56 = vector.shape_cast %broadcast_in_dim3A_0 : vector<16xf32> to vector<1x16xf32>
      tpu.vector_store %arg9[%swap3A_52, %swap3A_53], %swap3A_56 {strides = array<i32>} : memref<128x128xf32, #tpu.memory_space<vmem>>, vector<1x16xf32>,
      %swap3A_57 = arith.index_cast %scan3A_37 : i32 to index
      %swap3A_58 = arith.constant 64 : index
      %swap3A_59 = tpu.vector_load %arg9[%swap3A_57, %swap3A_58] {strides = array<i32>} : memref<128x128xf32, #tpu.memory_space<vmem>>, vector<1x16xf32>,
      %swap3A_60 = vector.shape_cast %swap3A_59 : vector<1x16xf32> to vector<16xf32>
      %swap3A_61 = vector.shape_cast %broadcast_in_dim3A_0 : vector<16xf32> to vector<1x16xf32>
      tpu.vector_store %arg9[%swap3A_57, %swap3A_58], %swap3A_61 {strides = array<i32>} : memref<128x128xf32, #tpu.memory_space<vmem>>, vector<1x16xf32>,
      %swap3A_62 = arith.index_cast %scan3A_37 : i32 to index
      %swap3A_63 = arith.constant 80 : index
      %swap3A_64 = tpu.vector_load %arg9[%swap3A_62, %swap3A_63] {strides = array<i32>} : memref<128x128xf32, #tpu.memory_space<vmem>>, vector<1x16xf32>,
      %swap3A_65 = vector.shape_cast %swap3A_64 : vector<1x16xf32> to vector<16xf32>
      %swap3A_66 = vector.shape_cast %broadcast_in_dim3A_0 : vector<16xf32> to vector<1x16xf32>
      tpu.vector_store %arg9[%swap3A_62, %swap3A_63], %swap3A_66 {strides = array<i32>} : memref<128x128xf32, #tpu.memory_space<vmem>>, vector<1x16xf32>,
      %swap3A_67 = arith.index_cast %scan3A_37 : i32 to index
      %swap3A_68 = arith.constant 96 : index
      %swap3A_69 = tpu.vector_load %arg9[%swap3A_67, %swap3A_68] {strides = array<i32>} : memref<128x128xf32, #tpu.memory_space<vmem>>, vector<1x16xf32>,
      %swap3A_70 = vector.shape_cast %swap3A_69 : vector<1x16xf32> to vector<16xf32>
      %swap3A_71 = vector.shape_cast %broadcast_in_dim3A_0 : vector<16xf32> to vector<1x16xf32>
      tpu.vector_store %arg9[%swap3A_67, %swap3A_68], %swap3A_71 {strides = array<i32>} : memref<128x128xf32, #tpu.memory_space<vmem>>, vector<1x16xf32>,
      %swap3A_72 = arith.index_cast %scan3A_37 : i32 to index
      %swap3A_73 = arith.constant 112 : index
      %swap3A_74 = tpu.vector_load %arg9[%swap3A_72, %swap3A_73] {strides = array<i32>} : memref<128x128xf32, #tpu.memory_space<vmem>>, vector<1x16xf32>,
      %swap3A_75 = vector.shape_cast %swap3A_74 : vector<1x16xf32> to vector<16xf32>
      %swap3A_76 = vector.shape_cast %broadcast_in_dim3A_0 : vector<16xf32> to vector<1x16xf32>
      tpu.vector_store %arg9[%swap3A_72, %swap3A_73], %swap3A_76 {strides = array<i32>} : memref<128x128xf32, #tpu.memory_space<vmem>>, vector<1x16xf32>,
    }
    %scan3A_8 = arith.constant 128 : i32
    %scan3A_9 = arith.constant 0 : i32
    %scan3A_10 = arith.constant 0 : i32
    %scan3A_11 = arith.constant 5 : i32
    %scan3A_12 = arith.addi %scan3A_10, %scan3A_11 : i32
    %scan3A_13 = arith.constant 1 : i32
    scf.for %scan3A_37 = %scan3A_10 to %scan3A_12 step %scan3A_13  : i32 {
      %mul3A_38 = arith.constant 16 : i32
      %mul3A_39 = arith.muli %mul3A_38, %scan3A_37 : i32
      %add3A_40 = arith.addi %arg1, %mul3A_39 : i32
      %lt3A_41 = arith.constant 78 : i32
      %lt3A_42 = arith.cmpi slt, %add3A_40, %lt3A_41 : i32
      %convert_element_type3A_43 = arith.extui %lt3A_42 : i1 to i32
      %cond3A_44 = arith.constant 0 : i32
      %cond3A_45 = arith.cmpi ne, %convert_element_type3A_43, %cond3A_44 : i32
      scf.if %cond3A_45 {
        %mul3A_46 = arith.constant 128 : i32
        %mul3A_47 = arith.muli %add3A_40, %mul3A_46 : i32
        "tpu.region"() ({
          %run_scoped3A = tpu.sem_alloc : memref<!tpu.dma_semaphore, #tpu.memory_space<semaphore_mem>>
          %dma_start3A = arith.constant 0 : i32
          %dma_start3A_48 = tpu.memref_slice %arg6[%mul3A_47, %dma_start3A] : memref<10000x128xf32, #tpu.memory_space<vmem_shared>> -> memref<128x128xf32, #tpu.memory_space<vmem_shared>>
          %dma_start3A_49 = arith.constant 0 : i32
          %dma_start3A_50 = tpu.memref_slice %arg6[%mul3A_47, %dma_start3A_49] : memref<10000x128xf32, #tpu.memory_space<vmem_shared>> -> memref<128x128xf32, #tpu.memory_space<vmem_shared>>
          tpu.enqueue_dma source(%arg9 : memref<128x128xf32, #tpu.memory_space<vmem>>) target(%dma_start3A_50 : memref<128x128xf32, #tpu.memory_space<vmem_shared>>) target_semaphore(%run_scoped3A : memref<!tpu.dma_semaphore, #tpu.memory_space<semaphore_mem>>)
          %dma_wait3A = arith.constant 0 : i32
          %dma_wait3A_51 = tpu.memref_slice %arg6[%mul3A_47, %dma_wait3A] : memref<10000x128xf32, #tpu.memory_space<vmem_shared>> -> memref<128x128xf32, #tpu.memory_space<vmem_shared>>
          %dma_wait3A_52 = arith.constant 0 : i32
          %dma_wait3A_53 = tpu.memref_slice %arg6[%mul3A_47, %dma_wait3A_52] : memref<10000x128xf32, #tpu.memory_space<vmem_shared>> -> memref<128x128xf32, #tpu.memory_space<vmem_shared>>
          tpu.wait_dma2 semaphore(%run_scoped3A : memref<!tpu.dma_semaphore, #tpu.memory_space<semaphore_mem>>) src(%arg9 : memref<128x128xf32, #tpu.memory_space<vmem>>) dst(%dma_wait3A_53 : memref<128x128xf32, #tpu.memory_space<vmem_shared>>)
          tpu.yield
        }) : () -> ()
      } else {
      }
    }
    %scan3A_14 = arith.constant 5 : i32
    %eq3A = arith.constant 0 : i32
    %eq3A_15 = arith.cmpi eq, %arg1, %eq3A : i32
    %convert_element_type3A = arith.extui %eq3A_15 : i1 to i32
    %cond3A = arith.constant 0 : i32
    %cond3A_16 = arith.cmpi ne, %convert_element_type3A, %cond3A : i32
    scf.if %cond3A_16 {
      "tpu.region"() ({
        %run_scoped3A = tpu.sem_alloc : memref<!tpu.dma_semaphore, #tpu.memory_space<semaphore_mem>>
        %dma_start3A = arith.constant 0 : i32
        %dma_start3A_37 = arith.constant 0 : i32
        %dma_start3A_38 = tpu.memref_slice %arg9[%dma_start3A, %dma_start3A_37] : memref<128x128xf32, #tpu.memory_space<vmem>> -> memref<16x128xf32, #tpu.memory_space<vmem>>
        %dma_start3A_39 = arith.constant 9984 : i32
        %dma_start3A_40 = arith.constant 0 : i32
        %dma_start3A_41 = tpu.memref_slice %arg6[%dma_start3A_39, %dma_start3A_40] : memref<10000x128xf32, #tpu.memory_space<vmem_shared>> -> memref<16x128xf32, #tpu.memory_space<vmem_shared>>
        %dma_start3A_42 = arith.constant 9984 : i32
        %dma_start3A_43 = arith.constant 0 : i32
        %dma_start3A_44 = tpu.memref_slice %arg6[%dma_start3A_42, %dma_start3A_43] : memref<10000x128xf32, #tpu.memory_space<vmem_shared>> -> memref<16x128xf32, #tpu.memory_space<vmem_shared>>
        %dma_start3A_45 = arith.constant 0 : i32
        %dma_start3A_46 = arith.constant 0 : i32
        %dma_start3A_47 = tpu.memref_slice %arg9[%dma_start3A_45, %dma_start3A_46] : memref<128x128xf32, #tpu.memory_space<vmem>> -> memref<16x128xf32, #tpu.memory_space<vmem>>
        tpu.enqueue_dma source(%dma_start3A_47 : memref<16x128xf32, #tpu.memory_space<vmem>>) target(%dma_start3A_44 : memref<16x128xf32, #tpu.memory_space<vmem_shared>>) target_semaphore(%run_scoped3A : memref<!tpu.dma_semaphore, #tpu.memory_space<semaphore_mem>>)
        %dma_wait3A = arith.constant 0 : i32
        %dma_wait3A_48 = arith.constant 0 : i32
        %dma_wait3A_49 = tpu.memref_slice %arg9[%dma_wait3A, %dma_wait3A_48] : memref<128x128xf32, #tpu.memory_space<vmem>> -> memref<16x128xf32, #tpu.memory_space<vmem>>
        %dma_wait3A_50 = arith.constant 9984 : i32
        %dma_wait3A_51 = arith.constant 0 : i32
        %dma_wait3A_52 = tpu.memref_slice %arg6[%dma_wait3A_50, %dma_wait3A_51] : memref<10000x128xf32, #tpu.memory_space<vmem_shared>> -> memref<16x128xf32, #tpu.memory_space<vmem_shared>>
        %dma_wait3A_53 = arith.constant 9984 : i32
        %dma_wait3A_54 = arith.constant 0 : i32
        %dma_wait3A_55 = tpu.memref_slice %arg6[%dma_wait3A_53, %dma_wait3A_54] : memref<10000x128xf32, #tpu.memory_space<vmem_shared>> -> memref<16x128xf32, #tpu.memory_space<vmem_shared>>
        %dma_wait3A_56 = arith.constant 0 : i32
        %dma_wait3A_57 = arith.constant 0 : i32
        %dma_wait3A_58 = tpu.memref_slice %arg9[%dma_wait3A_56, %dma_wait3A_57] : memref<128x128xf32, #tpu.memory_space<vmem>> -> memref<16x128xf32, #tpu.memory_space<vmem>>
        tpu.wait_dma2 semaphore(%run_scoped3A : memref<!tpu.dma_semaphore, #tpu.memory_space<semaphore_mem>>) src(%dma_wait3A_58 : memref<16x128xf32, #tpu.memory_space<vmem>>) dst(%dma_wait3A_55 : memref<16x128xf32, #tpu.memory_space<vmem_shared>>)
        tpu.yield
      }) : () -> ()
    } else {
    }
    %barrier3A = arith.constant 0 : index
    tpu.barrier barrier_id(%barrier3A)
    %add3A = arith.constant 0 : i32
    %add3A_17 = arith.addi %arg1, %add3A : i32
    %lt3A = arith.constant 1250 : i32
    %lt3A_18 = arith.cmpi slt, %add3A_17, %lt3A : i32
    %convert_element_type3A_19 = arith.extui %lt3A_18 : i1 to i32
    %cond3A_20 = arith.constant 0 : i32
    %cond3A_21 = arith.cmpi ne, %convert_element_type3A_19, %cond3A_20 : i32
    scf.if %cond3A_21 {
      %add3A_37 = arith.constant 0 : i32
      %add3A_38 = arith.addi %arg1, %add3A_37 : i32
      %mul3A_39 = arith.constant 128 : i32
      %mul3A_40 = arith.muli %add3A_38, %mul3A_39 : i32
      %dma_start3A = tpu.memref_slice %arg3[%mul3A_40] : memref<160000xi32, #tpu.memory_space<hbm>> -> memref<128xi32, #tpu.memory_space<hbm>>
      %dma_start3A_41 = tpu.memref_slice %arg3[%mul3A_40] : memref<160000xi32, #tpu.memory_space<hbm>> -> memref<128xi32, #tpu.memory_space<hbm>>
      tpu.enqueue_dma source(%dma_start3A_41 : memref<128xi32, #tpu.memory_space<hbm>>) target(%arg7 : memref<128xi32, #tpu.memory_space<vmem>>) target_semaphore(%arg12 : memref<!tpu.dma_semaphore, #tpu.memory_space<semaphore_mem>>)
      %dma_start3A_42 = tpu.memref_slice %arg2[%mul3A_40, %mul3A_3] : memref<160000x256xf32, #tpu.memory_space<hbm>> -> memref<128x128xf32, #tpu.memory_space<hbm>>
      %dma_start3A_43 = tpu.memref_slice %arg2[%mul3A_40, %mul3A_3] : memref<160000x256xf32, #tpu.memory_space<hbm>> -> memref<128x128xf32, #tpu.memory_space<hbm>>
      tpu.enqueue_dma source(%dma_start3A_43 : memref<128x128xf32, #tpu.memory_space<hbm>>) target(%arg9 : memref<128x128xf32, #tpu.memory_space<vmem>>) target_semaphore(%arg12 : memref<!tpu.dma_semaphore, #tpu.memory_space<semaphore_mem>>)
    } else {
    }
    %scan3A_22 = arith.constant 0 : i32
    %scan3A_23 = arith.constant 0 : i32
    %scan3A_24 = arith.constant 79 : i32
    %scan3A_25 = arith.addi %scan3A_23, %scan3A_24 : i32
    %scan3A_26 = arith.constant 1 : i32
    scf.for %scan3A_37 = %scan3A_23 to %scan3A_25 step %scan3A_26  : i32 {
      %jit3A = arith.constant 2 : i32
      %eq3A_38 = arith.constant 0 : i32
      %eq3A_39 = arith.cmpi eq, %jit3A, %eq3A_38 : i32
      %jit3A_40 = arith.constant 1 : i32
      %select_n3A = arith.select %eq3A_39, %jit3A_40, %jit3A : i32
      %rem3A = arith.remsi %scan3A_37, %select_n3A : i32
      %ne3A = arith.constant 0 : i32
      %ne3A_41 = arith.cmpi ne, %rem3A, %ne3A : i32
      %lt3A_42 = arith.constant 0 : i32
      %lt3A_43 = arith.cmpi slt, %rem3A, %lt3A_42 : i32
      %lt3A_44 = arith.constant 0 : i32
      %lt3A_45 = arith.cmpi slt, %select_n3A, %lt3A_44 : i32
      %ne3A_46 = arith.xori %lt3A_43, %lt3A_45 : i1
      %and3A = arith.andi %ne3A_46, %ne3A_41 : i1
      %add3A_47 = arith.addi %rem3A, %select_n3A : i32
      %select_n3A_48 = arith.select %and3A, %add3A_47, %rem3A : i32
      %eq3A_49 = arith.constant 0 : i32
      %eq3A_50 = arith.cmpi eq, %select_n3A_48, %eq3A_49 : i32
      %convert_element_type3A_51 = arith.extui %eq3A_50 : i1 to i32
      %cond3A_52 = arith.constant 0 : i32
      %cond3A_53 = arith.cmpi ne, %convert_element_type3A_51, %cond3A_52 : i32
      scf.if %cond3A_53 {
        %add3A_75 = arith.constant 1 : i32
        %add3A_76 = arith.addi %scan3A_37, %add3A_75 : i32
        %mul3A_77 = arith.constant 16 : i32
        %mul3A_78 = arith.muli %mul3A_77, %add3A_76 : i32
        %add3A_79 = arith.addi %arg1, %mul3A_78 : i32
        %lt3A_80 = arith.constant 1250 : i32
        %lt3A_81 = arith.cmpi slt, %add3A_79, %lt3A_80 : i32
        %convert_element_type3A_82 = arith.extui %lt3A_81 : i1 to i32
        %cond3A_83 = arith.constant 0 : i32
        %cond3A_84 = arith.cmpi ne, %convert_element_type3A_82, %cond3A_83 : i32
        scf.if %cond3A_84 {
          %add3A_93 = arith.constant 1 : i32
          %add3A_94 = arith.addi %scan3A_37, %add3A_93 : i32
          %mul3A_95 = arith.constant 16 : i32
          %mul3A_96 = arith.muli %mul3A_95, %add3A_94 : i32
          %add3A_97 = arith.addi %arg1, %mul3A_96 : i32
          %mul3A_98 = arith.constant 128 : i32
          %mul3A_99 = arith.muli %add3A_97, %mul3A_98 : i32
          %dma_start3A = tpu.memref_slice %arg3[%mul3A_99] : memref<160000xi32, #tpu.memory_space<hbm>> -> memref<128xi32, #tpu.memory_space<hbm>>
          %dma_start3A_100 = tpu.memref_slice %arg3[%mul3A_99] : memref<160000xi32, #tpu.memory_space<hbm>> -> memref<128xi32, #tpu.memory_space<hbm>>
          tpu.enqueue_dma source(%dma_start3A_100 : memref<128xi32, #tpu.memory_space<hbm>>) target(%arg8 : memref<128xi32, #tpu.memory_space<vmem>>) target_semaphore(%arg13 : memref<!tpu.dma_semaphore, #tpu.memory_space<semaphore_mem>>)
          %dma_start3A_101 = tpu.memref_slice %arg2[%mul3A_99, %mul3A_3] : memref<160000x256xf32, #tpu.memory_space<hbm>> -> memref<128x128xf32, #tpu.memory_space<hbm>>
          %dma_start3A_102 = tpu.memref_slice %arg2[%mul3A_99, %mul3A_3] : memref<160000x256xf32, #tpu.memory_space<hbm>> -> memref<128x128xf32, #tpu.memory_space<hbm>>
          tpu.enqueue_dma source(%dma_start3A_102 : memref<128x128xf32, #tpu.memory_space<hbm>>) target(%arg10 : memref<128x128xf32, #tpu.memory_space<vmem>>) target_semaphore(%arg13 : memref<!tpu.dma_semaphore, #tpu.memory_space<semaphore_mem>>)
        } else {
        }
        %mul3A_85 = arith.constant 16 : i32
        %mul3A_86 = arith.muli %mul3A_85, %scan3A_37 : i32
        %add3A_87 = arith.addi %arg1, %mul3A_86 : i32
        %lt3A_88 = arith.constant 1250 : i32
        %lt3A_89 = arith.cmpi slt, %add3A_87, %lt3A_88 : i32
        %convert_element_type3A_90 = arith.extui %lt3A_89 : i1 to i32
        %cond3A_91 = arith.constant 0 : i32
        %cond3A_92 = arith.cmpi ne, %convert_element_type3A_90, %cond3A_91 : i32
        scf.if %cond3A_92 {
          %mul3A_93 = arith.constant 16 : i32
          %mul3A_94 = arith.muli %mul3A_93, %scan3A_37 : i32
          %add3A_95 = arith.addi %arg1, %mul3A_94 : i32
          %mul3A_96 = arith.constant 128 : i32
          %mul3A_97 = arith.muli %add3A_95, %mul3A_96 : i32
          %dma_wait3A = tpu.memref_slice %arg3[%mul3A_97] : memref<160000xi32, #tpu.memory_space<hbm>> -> memref<128xi32, #tpu.memory_space<hbm>>
          %dma_wait3A_98 = tpu.memref_slice %arg3[%mul3A_97] : memref<160000xi32, #tpu.memory_space<hbm>> -> memref<128xi32, #tpu.memory_space<hbm>>
          tpu.wait_dma2 semaphore(%arg12 : memref<!tpu.dma_semaphore, #tpu.memory_space<semaphore_mem>>) src(%dma_wait3A_98 : memref<128xi32, #tpu.memory_space<hbm>>) dst(%arg7 : memref<128xi32, #tpu.memory_space<vmem>>)
          %dma_wait3A_99 = tpu.memref_slice %arg2[%mul3A_97, %mul3A_3] : memref<160000x256xf32, #tpu.memory_space<hbm>> -> memref<128x128xf32, #tpu.memory_space<hbm>>
          %dma_wait3A_100 = tpu.memref_slice %arg2[%mul3A_97, %mul3A_3] : memref<160000x256xf32, #tpu.memory_space<hbm>> -> memref<128x128xf32, #tpu.memory_space<hbm>>
          tpu.wait_dma2 semaphore(%arg12 : memref<!tpu.dma_semaphore, #tpu.memory_space<semaphore_mem>>) src(%dma_wait3A_100 : memref<128x128xf32, #tpu.memory_space<hbm>>) dst(%arg9 : memref<128x128xf32, #tpu.memory_space<vmem>>)
          "tpu.region"() ({
            %run_scoped3A = tpu.sem_alloc : memref<!tpu.dma_semaphore, #tpu.memory_space<semaphore_mem>>
            %dma_start3A = arith.constant 0 : i32
            %dma_start3A_101 = arith.constant 0 : i32
            %dma_start3A_102 = tpu.memref_slice %arg6[%dma_start3A, %dma_start3A_101] : memref<10000x128xf32, #tpu.memory_space<vmem_shared>> -> memref<10000x128xf32, #tpu.memory_space<vmem_shared>>
            tpu.enqueue_indirect_dma source(%arg9 : memref<128x128xf32, #tpu.memory_space<vmem>>) target(%dma_start3A_102 : memref<10000x128xf32, #tpu.memory_space<vmem_shared>>) offsets(%arg7 : memref<128xi32, #tpu.memory_space<vmem>>) semaphore(%run_scoped3A : memref<!tpu.dma_semaphore, #tpu.memory_space<semaphore_mem>>) {add = true}
            %dma_wait3A_103 = arith.constant 0 : i32
            %dma_wait3A_104 = arith.constant 0 : i32
            %dma_wait3A_105 = tpu.memref_slice %arg6[%dma_wait3A_103, %dma_wait3A_104] : memref<10000x128xf32, #tpu.memory_space<vmem_shared>> -> memref<10000x128xf32, #tpu.memory_space<vmem_shared>>
            tpu.wait_indirect_dma semaphore(%run_scoped3A : memref<!tpu.dma_semaphore, #tpu.memory_space<semaphore_mem>>) src(%arg9 : memref<128x128xf32, #tpu.memory_space<vmem>>) dst(%dma_wait3A_105 : memref<10000x128xf32, #tpu.memory_space<vmem_shared>>)
            tpu.yield
          }) : () -> ()
        } else {
        }
      } else {
      }
      %jit3A_54 = arith.constant 2 : i32
      %eq3A_55 = arith.constant 0 : i32
      %eq3A_56 = arith.cmpi eq, %jit3A_54, %eq3A_55 : i32
      %jit3A_57 = arith.constant 1 : i32
      %select_n3A_58 = arith.select %eq3A_56, %jit3A_57, %jit3A_54 : i32
      %rem3A_59 = arith.remsi %scan3A_37, %select_n3A_58 : i32
      %ne3A_60 = arith.constant 0 : i32
      %ne3A_61 = arith.cmpi ne, %rem3A_59, %ne3A_60 : i32
      %lt3A_62 = arith.constant 0 : i32
      %lt3A_63 = arith.cmpi slt, %rem3A_59, %lt3A_62 : i32
      %lt3A_64 = arith.constant 0 : i32
      %lt3A_65 = arith.cmpi slt, %select_n3A_58, %lt3A_64 : i32
      %ne3A_66 = arith.xori %lt3A_63, %lt3A_65 : i1
      %and3A_67 = arith.andi %ne3A_66, %ne3A_61 : i1
      %add3A_68 = arith.addi %rem3A_59, %select_n3A_58 : i32
      %select_n3A_69 = arith.select %and3A_67, %add3A_68, %rem3A_59 : i32
      %eq3A_70 = arith.constant 1 : i32
      %eq3A_71 = arith.cmpi eq, %select_n3A_69, %eq3A_70 : i32
      %convert_element_type3A_72 = arith.extui %eq3A_71 : i1 to i32
      %cond3A_73 = arith.constant 0 : i32
      %cond3A_74 = arith.cmpi ne, %convert_element_type3A_72, %cond3A_73 : i32
      scf.if %cond3A_74 {
        %add3A_75 = arith.constant 1 : i32
        %add3A_76 = arith.addi %scan3A_37, %add3A_75 : i32
        %mul3A_77 = arith.constant 16 : i32
        %mul3A_78 = arith.muli %mul3A_77, %add3A_76 : i32
        %add3A_79 = arith.addi %arg1, %mul3A_78 : i32
        %lt3A_80 = arith.constant 1250 : i32
        %lt3A_81 = arith.cmpi slt, %add3A_79, %lt3A_80 : i32
        %convert_element_type3A_82 = arith.extui %lt3A_81 : i1 to i32
        %cond3A_83 = arith.constant 0 : i32
        %cond3A_84 = arith.cmpi ne, %convert_element_type3A_82, %cond3A_83 : i32
        scf.if %cond3A_84 {
          %add3A_93 = arith.constant 1 : i32
          %add3A_94 = arith.addi %scan3A_37, %add3A_93 : i32
          %mul3A_95 = arith.constant 16 : i32
          %mul3A_96 = arith.muli %mul3A_95, %add3A_94 : i32
          %add3A_97 = arith.addi %arg1, %mul3A_96 : i32
          %mul3A_98 = arith.constant 128 : i32
          %mul3A_99 = arith.muli %add3A_97, %mul3A_98 : i32
          %dma_start3A = tpu.memref_slice %arg3[%mul3A_99] : memref<160000xi32, #tpu.memory_space<hbm>> -> memref<128xi32, #tpu.memory_space<hbm>>
          %dma_start3A_100 = tpu.memref_slice %arg3[%mul3A_99] : memref<160000xi32, #tpu.memory_space<hbm>> -> memref<128xi32, #tpu.memory_space<hbm>>
          tpu.enqueue_dma source(%dma_start3A_100 : memref<128xi32, #tpu.memory_space<hbm>>) target(%arg7 : memref<128xi32, #tpu.memory_space<vmem>>) target_semaphore(%arg12 : memref<!tpu.dma_semaphore, #tpu.memory_space<semaphore_mem>>)
          %dma_start3A_101 = tpu.memref_slice %arg2[%mul3A_99, %mul3A_3] : memref<160000x256xf32, #tpu.memory_space<hbm>> -> memref<128x128xf32, #tpu.memory_space<hbm>>
          %dma_start3A_102 = tpu.memref_slice %arg2[%mul3A_99, %mul3A_3] : memref<160000x256xf32, #tpu.memory_space<hbm>> -> memref<128x128xf32, #tpu.memory_space<hbm>>
          tpu.enqueue_dma source(%dma_start3A_102 : memref<128x128xf32, #tpu.memory_space<hbm>>) target(%arg9 : memref<128x128xf32, #tpu.memory_space<vmem>>) target_semaphore(%arg12 : memref<!tpu.dma_semaphore, #tpu.memory_space<semaphore_mem>>)
        } else {
        }
        %mul3A_85 = arith.constant 16 : i32
        %mul3A_86 = arith.muli %mul3A_85, %scan3A_37 : i32
        %add3A_87 = arith.addi %arg1, %mul3A_86 : i32
        %lt3A_88 = arith.constant 1250 : i32
        %lt3A_89 = arith.cmpi slt, %add3A_87, %lt3A_88 : i32
        %convert_element_type3A_90 = arith.extui %lt3A_89 : i1 to i32
        %cond3A_91 = arith.constant 0 : i32
        %cond3A_92 = arith.cmpi ne, %convert_element_type3A_90, %cond3A_91 : i32
        scf.if %cond3A_92 {
          %mul3A_93 = arith.constant 16 : i32
          %mul3A_94 = arith.muli %mul3A_93, %scan3A_37 : i32
          %add3A_95 = arith.addi %arg1, %mul3A_94 : i32
          %mul3A_96 = arith.constant 128 : i32
          %mul3A_97 = arith.muli %add3A_95, %mul3A_96 : i32
          %dma_wait3A = tpu.memref_slice %arg3[%mul3A_97] : memref<160000xi32, #tpu.memory_space<hbm>> -> memref<128xi32, #tpu.memory_space<hbm>>
          %dma_wait3A_98 = tpu.memref_slice %arg3[%mul3A_97] : memref<160000xi32, #tpu.memory_space<hbm>> -> memref<128xi32, #tpu.memory_space<hbm>>
          tpu.wait_dma2 semaphore(%arg13 : memref<!tpu.dma_semaphore, #tpu.memory_space<semaphore_mem>>) src(%dma_wait3A_98 : memref<128xi32, #tpu.memory_space<hbm>>) dst(%arg8 : memref<128xi32, #tpu.memory_space<vmem>>)
          %dma_wait3A_99 = tpu.memref_slice %arg2[%mul3A_97, %mul3A_3] : memref<160000x256xf32, #tpu.memory_space<hbm>> -> memref<128x128xf32, #tpu.memory_space<hbm>>
          %dma_wait3A_100 = tpu.memref_slice %arg2[%mul3A_97, %mul3A_3] : memref<160000x256xf32, #tpu.memory_space<hbm>> -> memref<128x128xf32, #tpu.memory_space<hbm>>
          tpu.wait_dma2 semaphore(%arg13 : memref<!tpu.dma_semaphore, #tpu.memory_space<semaphore_mem>>) src(%dma_wait3A_100 : memref<128x128xf32, #tpu.memory_space<hbm>>) dst(%arg10 : memref<128x128xf32, #tpu.memory_space<vmem>>)
          "tpu.region"() ({
            %run_scoped3A = tpu.sem_alloc : memref<!tpu.dma_semaphore, #tpu.memory_space<semaphore_mem>>
            %dma_start3A = arith.constant 0 : i32
            %dma_start3A_101 = arith.constant 0 : i32
            %dma_start3A_102 = tpu.memref_slice %arg6[%dma_start3A, %dma_start3A_101] : memref<10000x128xf32, #tpu.memory_space<vmem_shared>> -> memref<10000x128xf32, #tpu.memory_space<vmem_shared>>
            tpu.enqueue_indirect_dma source(%arg10 : memref<128x128xf32, #tpu.memory_space<vmem>>) target(%dma_start3A_102 : memref<10000x128xf32, #tpu.memory_space<vmem_shared>>) offsets(%arg8 : memref<128xi32, #tpu.memory_space<vmem>>) semaphore(%run_scoped3A : memref<!tpu.dma_semaphore, #tpu.memory_space<semaphore_mem>>) {add = true}
            %dma_wait3A_103 = arith.constant 0 : i32
            %dma_wait3A_104 = arith.constant 0 : i32
            %dma_wait3A_105 = tpu.memref_slice %arg6[%dma_wait3A_103, %dma_wait3A_104] : memref<10000x128xf32, #tpu.memory_space<vmem_shared>> -> memref<10000x128xf32, #tpu.memory_space<vmem_shared>>
            tpu.wait_indirect_dma semaphore(%run_scoped3A : memref<!tpu.dma_semaphore, #tpu.memory_space<semaphore_mem>>) src(%arg10 : memref<128x128xf32, #tpu.memory_space<vmem>>) dst(%dma_wait3A_105 : memref<10000x128xf32, #tpu.memory_space<vmem_shared>>)
            tpu.yield
          }) : () -> ()
        } else {
        }
      } else {
      }
    }
    %scan3A_27 = arith.constant 79 : i32
    %barrier3A_28 = arith.constant 0 : index
    tpu.barrier barrier_id(%barrier3A_28)
    %broadcast_in_dim3A_29 = arith.constant 9.99999993E-9 : f32
    %broadcast_in_dim3A_30 = vector.broadcast %broadcast_in_dim3A_29 : f32 to vector<16xf32>
    %scan3A_31 = arith.constant 0 : i32
    %scan3A_32 = arith.constant 0 : i32
    %scan3A_33 = arith.constant 8 : i32
    %scan3A_34 = arith.addi %scan3A_32, %scan3A_33 : i32
    %scan3A_35 = arith.constant 1 : i32
    scf.for %scan3A_37 = %scan3A_32 to %scan3A_34 step %scan3A_35  : i32 {
      %mul3A_38 = arith.constant 16 : i32
      %mul3A_39 = arith.muli %mul3A_38, %scan3A_37 : i32
      %add3A_40 = arith.addi %arg1, %mul3A_39 : i32
      %lt3A_41 = arith.constant 125 : i32
      %lt3A_42 = arith.cmpi slt, %add3A_40, %lt3A_41 : i32
      %convert_element_type3A_43 = arith.extui %lt3A_42 : i1 to i32
      %cond3A_44 = arith.constant 0 : i32
      %cond3A_45 = arith.cmpi ne, %convert_element_type3A_43, %cond3A_44 : i32
      scf.if %cond3A_45 {
        %mul3A_46 = arith.constant 80 : i32
        %mul3A_47 = arith.muli %add3A_40, %mul3A_46 : i32
        "tpu.region"() ({
          %run_scoped3A = tpu.sem_alloc : memref<!tpu.dma_semaphore, #tpu.memory_space<semaphore_mem>>
          %dma_start3A = arith.constant 0 : i32
          %dma_start3A_54 = arith.constant 0 : i32
          %dma_start3A_55 = tpu.memref_slice %arg9[%dma_start3A, %dma_start3A_54] : memref<128x128xf32, #tpu.memory_space<vmem>> -> memref<80x128xf32, #tpu.memory_space<vmem>>
          %dma_start3A_56 = arith.constant 0 : i32
          %dma_start3A_57 = tpu.memref_slice %arg6[%mul3A_47, %dma_start3A_56] : memref<10000x128xf32, #tpu.memory_space<vmem_shared>> -> memref<80x128xf32, #tpu.memory_space<vmem_shared>>
          %dma_start3A_58 = arith.constant 0 : i32
          %dma_start3A_59 = arith.constant 0 : i32
          %dma_start3A_60 = tpu.memref_slice %arg9[%dma_start3A_58, %dma_start3A_59] : memref<128x128xf32, #tpu.memory_space<vmem>> -> memref<80x128xf32, #tpu.memory_space<vmem>>
          %dma_start3A_61 = arith.constant 0 : i32
          %dma_start3A_62 = tpu.memref_slice %arg6[%mul3A_47, %dma_start3A_61] : memref<10000x128xf32, #tpu.memory_space<vmem_shared>> -> memref<80x128xf32, #tpu.memory_space<vmem_shared>>
          tpu.enqueue_dma source(%dma_start3A_62 : memref<80x128xf32, #tpu.memory_space<vmem_shared>>) target(%dma_start3A_60 : memref<80x128xf32, #tpu.memory_space<vmem>>) target_semaphore(%run_scoped3A : memref<!tpu.dma_semaphore, #tpu.memory_space<semaphore_mem>>)
          %dma_wait3A = arith.constant 0 : i32
          %dma_wait3A_63 = arith.constant 0 : i32
          %dma_wait3A_64 = tpu.memref_slice %arg9[%dma_wait3A, %dma_wait3A_63] : memref<128x128xf32, #tpu.memory_space<vmem>> -> memref<80x128xf32, #tpu.memory_space<vmem>>
          %dma_wait3A_65 = arith.constant 0 : i32
          %dma_wait3A_66 = tpu.memref_slice %arg6[%mul3A_47, %dma_wait3A_65] : memref<10000x128xf32, #tpu.memory_space<vmem_shared>> -> memref<80x128xf32, #tpu.memory_space<vmem_shared>>
          %dma_wait3A_67 = arith.constant 0 : i32
          %dma_wait3A_68 = arith.constant 0 : i32
          %dma_wait3A_69 = tpu.memref_slice %arg9[%dma_wait3A_67, %dma_wait3A_68] : memref<128x128xf32, #tpu.memory_space<vmem>> -> memref<80x128xf32, #tpu.memory_space<vmem>>
          %dma_wait3A_70 = arith.constant 0 : i32
          %dma_wait3A_71 = tpu.memref_slice %arg6[%mul3A_47, %dma_wait3A_70] : memref<10000x128xf32, #tpu.memory_space<vmem_shared>> -> memref<80x128xf32, #tpu.memory_space<vmem_shared>>
          tpu.wait_dma2 semaphore(%run_scoped3A : memref<!tpu.dma_semaphore, #tpu.memory_space<semaphore_mem>>) src(%dma_wait3A_71 : memref<80x128xf32, #tpu.memory_space<vmem_shared>>) dst(%dma_wait3A_69 : memref<80x128xf32, #tpu.memory_space<vmem>>)
          tpu.yield
        }) : () -> ()
        "tpu.region"() ({
          %run_scoped3A = tpu.sem_alloc : memref<!tpu.dma_semaphore, #tpu.memory_space<semaphore_mem>>
          %dma_start3A = arith.constant 0 : i32
          %dma_start3A_54 = tpu.memref_slice %arg4[%mul3A_47, %dma_start3A] : memref<10000x16xf32, #tpu.memory_space<hbm>> -> memref<80x16xf32, #tpu.memory_space<hbm>>
          %dma_start3A_55 = arith.constant 0 : i32
          %dma_start3A_56 = tpu.memref_slice %arg4[%mul3A_47, %dma_start3A_55] : memref<10000x16xf32, #tpu.memory_space<hbm>> -> memref<80x16xf32, #tpu.memory_space<hbm>>
          tpu.enqueue_dma source(%dma_start3A_56 : memref<80x16xf32, #tpu.memory_space<hbm>>) target(%arg11 : memref<80x16xf32, #tpu.memory_space<vmem>>) target_semaphore(%run_scoped3A : memref<!tpu.dma_semaphore, #tpu.memory_space<semaphore_mem>>)
          %dma_wait3A = arith.constant 0 : i32
          %dma_wait3A_57 = tpu.memref_slice %arg4[%mul3A_47, %dma_wait3A] : memref<10000x16xf32, #tpu.memory_space<hbm>> -> memref<80x16xf32, #tpu.memory_space<hbm>>
          %dma_wait3A_58 = arith.constant 0 : i32
          %dma_wait3A_59 = tpu.memref_slice %arg4[%mul3A_47, %dma_wait3A_58] : memref<10000x16xf32, #tpu.memory_space<hbm>> -> memref<80x16xf32, #tpu.memory_space<hbm>>
          tpu.wait_dma2 semaphore(%run_scoped3A : memref<!tpu.dma_semaphore, #tpu.memory_space<semaphore_mem>>) src(%dma_wait3A_59 : memref<80x16xf32, #tpu.memory_space<hbm>>) dst(%arg11 : memref<80x16xf32, #tpu.memory_space<vmem>>)
          tpu.yield
        }) : () -> ()
        %scan3A_48 = arith.constant 0 : i32
        %scan3A_49 = arith.constant 0 : i32
        %scan3A_50 = arith.constant 80 : i32
        %scan3A_51 = arith.addi %scan3A_49, %scan3A_50 : i32
        %scan3A_52 = arith.constant 1 : i32
        scf.for %scan3A_54 = %scan3A_49 to %scan3A_51 step %scan3A_52  : i32 {
          %get3A = arith.index_cast %scan3A_54 : i32 to index
          %get3A_55 = arith.constant 0 : index
          %get3A_56 = tpu.vector_load %arg11[%get3A, %get3A_55] {strides = array<i32>} : memref<80x16xf32, #tpu.memory_space<vmem>>, vector<1x16xf32>,
          %get3A_57 = vector.shape_cast %get3A_56 : vector<1x16xf32> to vector<16xf32>
          %add3A_58 = arith.addf %get3A_57, %broadcast_in_dim3A_30 : vector<16xf32>
          %div3A = arith.divf %broadcast_in_dim3A_2, %add3A_58 : vector<16xf32>
          %get3A_59 = arith.index_cast %scan3A_54 : i32 to index
          %get3A_60 = arith.constant 0 : index
          %get3A_61 = tpu.vector_load %arg9[%get3A_59, %get3A_60] {strides = array<i32>} : memref<128x128xf32, #tpu.memory_space<vmem>>, vector<1x16xf32>,
          %get3A_62 = vector.shape_cast %get3A_61 : vector<1x16xf32> to vector<16xf32>
          %mul3A_63 = arith.mulf %get3A_62, %div3A : vector<16xf32>
          %swap3A = arith.index_cast %scan3A_54 : i32 to index
          %swap3A_64 = arith.constant 0 : index
          %swap3A_65 = tpu.vector_load %arg9[%swap3A, %swap3A_64] {strides = array<i32>} : memref<128x128xf32, #tpu.memory_space<vmem>>, vector<1x16xf32>,
          %swap3A_66 = vector.shape_cast %swap3A_65 : vector<1x16xf32> to vector<16xf32>
          %swap3A_67 = vector.shape_cast %mul3A_63 : vector<16xf32> to vector<1x16xf32>
          tpu.vector_store %arg9[%swap3A, %swap3A_64], %swap3A_67 {strides = array<i32>} : memref<128x128xf32, #tpu.memory_space<vmem>>, vector<1x16xf32>,
          %get3A_68 = arith.index_cast %scan3A_54 : i32 to index
          %get3A_69 = arith.constant 16 : index
          %get3A_70 = tpu.vector_load %arg9[%get3A_68, %get3A_69] {strides = array<i32>} : memref<128x128xf32, #tpu.memory_space<vmem>>, vector<1x16xf32>,
          %get3A_71 = vector.shape_cast %get3A_70 : vector<1x16xf32> to vector<16xf32>
          %mul3A_72 = arith.mulf %get3A_71, %div3A : vector<16xf32>
          %swap3A_73 = arith.index_cast %scan3A_54 : i32 to index
          %swap3A_74 = arith.constant 16 : index
          %swap3A_75 = tpu.vector_load %arg9[%swap3A_73, %swap3A_74] {strides = array<i32>} : memref<128x128xf32, #tpu.memory_space<vmem>>, vector<1x16xf32>,
          %swap3A_76 = vector.shape_cast %swap3A_75 : vector<1x16xf32> to vector<16xf32>
          %swap3A_77 = vector.shape_cast %mul3A_72 : vector<16xf32> to vector<1x16xf32>
          tpu.vector_store %arg9[%swap3A_73, %swap3A_74], %swap3A_77 {strides = array<i32>} : memref<128x128xf32, #tpu.memory_space<vmem>>, vector<1x16xf32>,
          %get3A_78 = arith.index_cast %scan3A_54 : i32 to index
          %get3A_79 = arith.constant 32 : index
          %get3A_80 = tpu.vector_load %arg9[%get3A_78, %get3A_79] {strides = array<i32>} : memref<128x128xf32, #tpu.memory_space<vmem>>, vector<1x16xf32>,
          %get3A_81 = vector.shape_cast %get3A_80 : vector<1x16xf32> to vector<16xf32>
          %mul3A_82 = arith.mulf %get3A_81, %div3A : vector<16xf32>
          %swap3A_83 = arith.index_cast %scan3A_54 : i32 to index
          %swap3A_84 = arith.constant 32 : index
          %swap3A_85 = tpu.vector_load %arg9[%swap3A_83, %swap3A_84] {strides = array<i32>} : memref<128x128xf32, #tpu.memory_space<vmem>>, vector<1x16xf32>,
          %swap3A_86 = vector.shape_cast %swap3A_85 : vector<1x16xf32> to vector<16xf32>
          %swap3A_87 = vector.shape_cast %mul3A_82 : vector<16xf32> to vector<1x16xf32>
          tpu.vector_store %arg9[%swap3A_83, %swap3A_84], %swap3A_87 {strides = array<i32>} : memref<128x128xf32, #tpu.memory_space<vmem>>, vector<1x16xf32>,
          %get3A_88 = arith.index_cast %scan3A_54 : i32 to index
          %get3A_89 = arith.constant 48 : index
          %get3A_90 = tpu.vector_load %arg9[%get3A_88, %get3A_89] {strides = array<i32>} : memref<128x128xf32, #tpu.memory_space<vmem>>, vector<1x16xf32>,
          %get3A_91 = vector.shape_cast %get3A_90 : vector<1x16xf32> to vector<16xf32>
          %mul3A_92 = arith.mulf %get3A_91, %div3A : vector<16xf32>
          %swap3A_93 = arith.index_cast %scan3A_54 : i32 to index
          %swap3A_94 = arith.constant 48 : index
          %swap3A_95 = tpu.vector_load %arg9[%swap3A_93, %swap3A_94] {strides = array<i32>} : memref<128x128xf32, #tpu.memory_space<vmem>>, vector<1x16xf32>,
          %swap3A_96 = vector.shape_cast %swap3A_95 : vector<1x16xf32> to vector<16xf32>
          %swap3A_97 = vector.shape_cast %mul3A_92 : vector<16xf32> to vector<1x16xf32>
          tpu.vector_store %arg9[%swap3A_93, %swap3A_94], %swap3A_97 {strides = array<i32>} : memref<128x128xf32, #tpu.memory_space<vmem>>, vector<1x16xf32>,
          %get3A_98 = arith.index_cast %scan3A_54 : i32 to index
          %get3A_99 = arith.constant 64 : index
          %get3A_100 = tpu.vector_load %arg9[%get3A_98, %get3A_99] {strides = array<i32>} : memref<128x128xf32, #tpu.memory_space<vmem>>, vector<1x16xf32>,
          %get3A_101 = vector.shape_cast %get3A_100 : vector<1x16xf32> to vector<16xf32>
          %mul3A_102 = arith.mulf %get3A_101, %div3A : vector<16xf32>
          %swap3A_103 = arith.index_cast %scan3A_54 : i32 to index
          %swap3A_104 = arith.constant 64 : index
          %swap3A_105 = tpu.vector_load %arg9[%swap3A_103, %swap3A_104] {strides = array<i32>} : memref<128x128xf32, #tpu.memory_space<vmem>>, vector<1x16xf32>,
          %swap3A_106 = vector.shape_cast %swap3A_105 : vector<1x16xf32> to vector<16xf32>
          %swap3A_107 = vector.shape_cast %mul3A_102 : vector<16xf32> to vector<1x16xf32>
          tpu.vector_store %arg9[%swap3A_103, %swap3A_104], %swap3A_107 {strides = array<i32>} : memref<128x128xf32, #tpu.memory_space<vmem>>, vector<1x16xf32>,
          %get3A_108 = arith.index_cast %scan3A_54 : i32 to index
          %get3A_109 = arith.constant 80 : index
          %get3A_110 = tpu.vector_load %arg9[%get3A_108, %get3A_109] {strides = array<i32>} : memref<128x128xf32, #tpu.memory_space<vmem>>, vector<1x16xf32>,
          %get3A_111 = vector.shape_cast %get3A_110 : vector<1x16xf32> to vector<16xf32>
          %mul3A_112 = arith.mulf %get3A_111, %div3A : vector<16xf32>
          %swap3A_113 = arith.index_cast %scan3A_54 : i32 to index
          %swap3A_114 = arith.constant 80 : index
          %swap3A_115 = tpu.vector_load %arg9[%swap3A_113, %swap3A_114] {strides = array<i32>} : memref<128x128xf32, #tpu.memory_space<vmem>>, vector<1x16xf32>,
          %swap3A_116 = vector.shape_cast %swap3A_115 : vector<1x16xf32> to vector<16xf32>
          %swap3A_117 = vector.shape_cast %mul3A_112 : vector<16xf32> to vector<1x16xf32>
          tpu.vector_store %arg9[%swap3A_113, %swap3A_114], %swap3A_117 {strides = array<i32>} : memref<128x128xf32, #tpu.memory_space<vmem>>, vector<1x16xf32>,
          %get3A_118 = arith.index_cast %scan3A_54 : i32 to index
          %get3A_119 = arith.constant 96 : index
          %get3A_120 = tpu.vector_load %arg9[%get3A_118, %get3A_119] {strides = array<i32>} : memref<128x128xf32, #tpu.memory_space<vmem>>, vector<1x16xf32>,
          %get3A_121 = vector.shape_cast %get3A_120 : vector<1x16xf32> to vector<16xf32>
          %mul3A_122 = arith.mulf %get3A_121, %div3A : vector<16xf32>
          %swap3A_123 = arith.index_cast %scan3A_54 : i32 to index
          %swap3A_124 = arith.constant 96 : index
          %swap3A_125 = tpu.vector_load %arg9[%swap3A_123, %swap3A_124] {strides = array<i32>} : memref<128x128xf32, #tpu.memory_space<vmem>>, vector<1x16xf32>,
          %swap3A_126 = vector.shape_cast %swap3A_125 : vector<1x16xf32> to vector<16xf32>
          %swap3A_127 = vector.shape_cast %mul3A_122 : vector<16xf32> to vector<1x16xf32>
          tpu.vector_store %arg9[%swap3A_123, %swap3A_124], %swap3A_127 {strides = array<i32>} : memref<128x128xf32, #tpu.memory_space<vmem>>, vector<1x16xf32>,
          %get3A_128 = arith.index_cast %scan3A_54 : i32 to index
          %get3A_129 = arith.constant 112 : index
          %get3A_130 = tpu.vector_load %arg9[%get3A_128, %get3A_129] {strides = array<i32>} : memref<128x128xf32, #tpu.memory_space<vmem>>, vector<1x16xf32>,
          %get3A_131 = vector.shape_cast %get3A_130 : vector<1x16xf32> to vector<16xf32>
          %mul3A_132 = arith.mulf %get3A_131, %div3A : vector<16xf32>
          %swap3A_133 = arith.index_cast %scan3A_54 : i32 to index
          %swap3A_134 = arith.constant 112 : index
          %swap3A_135 = tpu.vector_load %arg9[%swap3A_133, %swap3A_134] {strides = array<i32>} : memref<128x128xf32, #tpu.memory_space<vmem>>, vector<1x16xf32>,
          %swap3A_136 = vector.shape_cast %swap3A_135 : vector<1x16xf32> to vector<16xf32>
          %swap3A_137 = vector.shape_cast %mul3A_132 : vector<16xf32> to vector<1x16xf32>
          tpu.vector_store %arg9[%swap3A_133, %swap3A_134], %swap3A_137 {strides = array<i32>} : memref<128x128xf32, #tpu.memory_space<vmem>>, vector<1x16xf32>,
        }
        %scan3A_53 = arith.constant 80 : i32
        "tpu.region"() ({
          %run_scoped3A = tpu.sem_alloc : memref<!tpu.dma_semaphore, #tpu.memory_space<semaphore_mem>>
          %dma_start3A = arith.constant 0 : i32
          %dma_start3A_54 = arith.constant 0 : i32
          %dma_start3A_55 = tpu.memref_slice %arg9[%dma_start3A, %dma_start3A_54] : memref<128x128xf32, #tpu.memory_space<vmem>> -> memref<80x128xf32, #tpu.memory_space<vmem>>
          %dma_start3A_56 = tpu.memref_slice %arg5[%mul3A_47, %mul3A_3] : memref<10000x256xf32, #tpu.memory_space<hbm>> -> memref<80x128xf32, #tpu.memory_space<hbm>>
          %dma_start3A_57 = tpu.memref_slice %arg5[%mul3A_47, %mul3A_3] : memref<10000x256xf32, #tpu.memory_space<hbm>> -> memref<80x128xf32, #tpu.memory_space<hbm>>
          %dma_start3A_58 = arith.constant 0 : i32
          %dma_start3A_59 = arith.constant 0 : i32
          %dma_start3A_60 = tpu.memref_slice %arg9[%dma_start3A_58, %dma_start3A_59] : memref<128x128xf32, #tpu.memory_space<vmem>> -> memref<80x128xf32, #tpu.memory_space<vmem>>
          tpu.enqueue_dma source(%dma_start3A_60 : memref<80x128xf32, #tpu.memory_space<vmem>>) target(%dma_start3A_57 : memref<80x128xf32, #tpu.memory_space<hbm>>) target_semaphore(%run_scoped3A : memref<!tpu.dma_semaphore, #tpu.memory_space<semaphore_mem>>)
          %dma_wait3A = arith.constant 0 : i32
          %dma_wait3A_61 = arith.constant 0 : i32
          %dma_wait3A_62 = tpu.memref_slice %arg9[%dma_wait3A, %dma_wait3A_61] : memref<128x128xf32, #tpu.memory_space<vmem>> -> memref<80x128xf32, #tpu.memory_space<vmem>>
          %dma_wait3A_63 = tpu.memref_slice %arg5[%mul3A_47, %mul3A_3] : memref<10000x256xf32, #tpu.memory_space<hbm>> -> memref<80x128xf32, #tpu.memory_space<hbm>>
          %dma_wait3A_64 = tpu.memref_slice %arg5[%mul3A_47, %mul3A_3] : memref<10000x256xf32, #tpu.memory_space<hbm>> -> memref<80x128xf32, #tpu.memory_space<hbm>>
          %dma_wait3A_65 = arith.constant 0 : i32
          %dma_wait3A_66 = arith.constant 0 : i32
          %dma_wait3A_67 = tpu.memref_slice %arg9[%dma_wait3A_65, %dma_wait3A_66] : memref<128x128xf32, #tpu.memory_space<vmem>> -> memref<80x128xf32, #tpu.memory_space<vmem>>
          tpu.wait_dma2 semaphore(%run_scoped3A : memref<!tpu.dma_semaphore, #tpu.memory_space<semaphore_mem>>) src(%dma_wait3A_67 : memref<80x128xf32, #tpu.memory_space<vmem>>) dst(%dma_wait3A_64 : memref<80x128xf32, #tpu.memory_space<hbm>>)
          tpu.yield
        }) : () -> ()
      } else {
      }
    }
    %scan3A_36 = arith.constant 8 : i32
    return
  }
}

</mosaic_0001>

<sc_bundles>
// kernel: kernel.4.cloned.1.call-start
scs
__scs_entry_jumppad:
0x0: {  	(pc) =	sbr.rel $0x88, $3  }
0x1: {  	(tag) =	ssettag $0x0;
	lr =	simm.s32 $0x1  }
0x2: {  	[smem:$0x3F9F] =	sst lr;
	_ =	strace $0xD0000000  }
0x3: {  	_ = 	snop  }
0x4: {  	_ = 	snop  }
0x5: {  	_ = 	snop  }
0x6: {  	_ = 	snop  }
0x7: {  	_ = 	snop  }
__scs_overlays_trampoline_lowered:
0x8: {  	[smem:$0x3FAE] =	sst s0  }
0x9: {  	[smem:$0x3FAF] =	sst s1  }
0xa: {  	[smem:$0x3FB0] =	sst s2  }
0xb: {  	[smem:$0x3FB1] =	sst s3  }
0xc: {  	[smem:$0x3FB2] =	sst s4  }
0xd: {  	[smem:$0x3FB3] =	sst s5  }
0xe: {  	[smem:$0x3FB4] =	sst s6  }
0xf: {  	[smem:$0x3FB5] =	sst s7  }
0x10: {  	[smem:$0x3FB6] =	sst s8  }
0x11: {  	[smem:$0x3FB7] =	sst s9;
	s0 =	simm.s32 @!p0 $0x0  }
0x12: {  	s1 =	sld [smem:$0x3F9D];
	s0 =	simm.s32 @p0 $0x1  }
0x13: {  	[smem:$0x3FB8] =	sst s0;
	s0 =	simm.s32 @!p1 $0x0  }
0x14: {  	s2 =	sld [smem:$0x3F9C];
	s0 =	simm.s32 @p1 $0x1  }
0x15: {  	[smem:$0x3FB9] =	sst s0;
	s0 =	simm.s32 @!p2 $0x0  }
0x16: {  	s3 =	sld [smem:$0x3FDB];
	s0 =	simm.s32 @p2 $0x1  }
0x17: {  	s4 =	simm.s32 $0x1BF5;
	[smem:$0x3FBB] =	sst s0  }
0x18: {  	s0 =	sld [smem:$0x3F9E];
	_ =	swait.ge [sflag:s4], $0x0  }
0x19: {  	s7 =	sld [smem:$0x3F9F]  }
0x1a: {  	s8 =	sadd.s32 $0xFFFFE003, lr  }
0x1b: {  	s9 =	sadd.s32 $0xFFFFFEF7, lr;
	s5 =	simm.s32 $0xFFFFFFFF;
	p2 =	slt.u32 s8, $0xFFFFF086  }
0x1c: {  	p1 =	slt.u32 s9, $0xF7A;
	s5 =	simm.s32 @!p2 $0x0  }
0x1d: {  	s5 =	simm.s32 @p1 $0x1;
	p0 =	seq.s32 s7, s2  }
0x1e: {  	s7 =	smul.u32 @!p0 $0xF7A, s2;
	p2 =	seq.s32 @!p0 s5, $0x0  }
0x1f: {  	s9 =	smul.u32 $0xF7A, s1;
	s8 =	simm.s32 @!p0 $0x1BF5;
	p2 =	por !p2, p0  }
0x20: {  	[sflag:s8] =	ssyncset.s32 @!p0 $0xFFFFF086;
	s6 =	sadd.s32 @!p0 s3, s7;
	s7 =	simm.s32 @!p0 $0x108  }
0x21: {  	s3 =	sadd.s32 s3, s9;
	s6 =	sadd.s32 @!p0 $0x88, s6;
	s7 =	simm.s32 @p2 $0x1082  }
0x22: {  	[simem:s7], [sflag:s8] =	dma.local @!p0 [hbm:s6], $0xF7A  }
0x23: {  	s9 =	sor.u32 $0xD0000000, s2;
	s6 =	simm.s32 $0x108;
	_ =	swait.ge @!p0 [sflag:s8], $0x0  }
0x24: {  	s3 =	sadd.s32 $0x88, s3;
	s6 =	simm.s32 @!p1 $0x1082;
	[sflag:s4] =	ssyncset.s32 $0xFFFFF086  }
0x25: {  	[simem:s6], [sflag:s4] =	dma.local [hbm:s3], $0xF7A  }
0x26: {  	[smem:$0x3F9F] =	sst s1;
	(tag) =	ssettag s2;
	_ =	strace s9  }
0x27: {  	s1 =	sld [smem:$0x3FAF]  }
0x28: {  	s2 =	sld [smem:$0x3FB0]  }
0x29: {  	s4 =	sld [smem:$0x3FB2]  }
0x2a: {  	p0 =	seq.s32 s5, $0x0;
	s5 =	sld [smem:$0x3FB3]  }
0x2b: {  	s6 =	sld [smem:$0x3FB4]  }
0x2c: {  	s7 =	sld [smem:$0x3FB5]  }
0x2d: {  	s3 =	simm.s32 $0x108;
	s8 =	sld [smem:$0x3FB6]  }
0x2e: {  	s3 =	simm.s32 @!p0 $0x1082;
	s9 =	sld [smem:$0x3FB7]  }
0x2f: {  	lr =	sadd.s32 s0, s3;
	s0 =	sld [smem:$0x3FAE]  }
0x30: {  	s3 =	sld [smem:$0x3FB1]  }
0x31: {  	[smem:$0x3FBA] =	sst s10  }
0x32: {  	s10 =	sld [smem:$0x3FB8];
	_ =	sdelay $0x3  }
0x33: {  	p0 =	seq.s32 s10, $0x1;
	s10 =	sld [smem:$0x3FBA];
	_ =	sdelay $0x3  }
0x34: {  	[smem:$0x3FBA] =	sst s10  }
0x35: {  	s10 =	sld [smem:$0x3FB9];
	_ =	sdelay $0x3  }
0x36: {  	p1 =	seq.s32 s10, $0x1;
	s10 =	sld [smem:$0x3FBA];
	_ =	sdelay $0x3  }
0x37: {  	[smem:$0x3FBA] =	sst s10  }
0x38: {  	s10 =	sld [smem:$0x3FBB]  }
0x39: {  	_ = 	snop;
	(pc) =	sbr.ind lr, $3  }
0x3a: {  	_ = 	snop  }
0x3b: {  	_ = 	snop  }
0x3c: {  	p2 =	seq.s32 s10, $0x1;
	s10 =	sld [smem:$0x3FBA]  }
0x3d: {  	_ =	shalt  }
0x3e: {  	_ =	shalt  }
0x3f: {  	_ =	shalt  }
0x40: {  	_ =	shalt  }
0x41: {  	_ =	shalt  }
0x42: {  	_ =	shalt  }
0x43: {  	_ =	shalt  }
0x44: {  	_ =	shalt  }
0x45: {  	_ =	shalt  }
0x46: {  	_ =	shalt  }
0x47: {  	_ =	shalt  }
0x48: {  	_ =	shalt  }
0x49: {  	_ =	shalt  }
0x4a: {  	_ =	shalt  }
0x4b: {  	_ =	shalt  }
0x4c: {  	_ =	shalt  }
0x4d: {  	_ =	shalt  }
0x4e: {  	_ =	shalt  }
0x4f: {  	_ =	shalt  }
0x50: {  	_ =	shalt  }
0x51: {  	_ =	shalt  }
0x52: {  	_ =	shalt  }
0x53: {  	_ =	shalt  }
0x54: {  	_ =	shalt  }
0x55: {  	_ =	shalt  }
0x56: {  	_ =	shalt  }
0x57: {  	_ =	shalt  }
0x58: {  	_ =	shalt  }
0x59: {  	_ =	shalt  }
0x5a: {  	_ =	shalt  }
0x5b: {  	_ =	shalt  }
0x5c: {  	_ =	shalt  }
0x5d: {  	_ =	shalt  }
0x5e: {  	_ =	shalt  }
0x5f: {  	_ =	shalt  }
0x60: {  	_ =	shalt  }
0x61: {  	_ =	shalt  }
0x62: {  	_ =	shalt  }
0x63: {  	_ =	shalt  }
0x64: {  	_ =	shalt  }
0x65: {  	_ =	shalt  }
0x66: {  	_ =	shalt  }
0x67: {  	_ =	shalt  }
0x68: {  	_ =	shalt  }
0x69: {  	_ =	shalt  }
0x6a: {  	_ =	shalt  }
0x6b: {  	_ =	shalt  }
0x6c: {  	_ =	shalt  }
0x6d: {  	_ =	shalt  }
0x6e: {  	_ =	shalt  }
0x6f: {  	_ =	shalt  }
0x70: {  	_ =	shalt  }
0x71: {  	_ =	shalt  }
0x72: {  	_ =	shalt  }
0x73: {  	_ =	shalt  }
0x74: {  	_ =	shalt  }
0x75: {  	_ =	shalt  }
0x76: {  	_ =	shalt  }
0x77: {  	_ =	shalt  }
0x78: {  	_ =	shalt  }
0x79: {  	_ =	shalt  }
0x7a: {  	_ =	shalt  }
0x7b: {  	_ =	shalt  }
0x7c: {  	_ =	shalt  }
0x7d: {  	_ =	shalt  }
0x7e: {  	_ =	shalt  }
0x7f: {  	_ =	shalt  }
0x80: {  	_ =	shalt  }
0x81: {  	_ =	shalt  }
0x82: {  	_ =	shalt  }
0x83: {  	_ =	shalt  }
0x84: {  	_ =	shalt  }
0x85: {  	_ =	shalt  }
0x86: {  	_ =	shalt  }
0x87: {  	_ =	shalt  }
.Lfunc_end0:
.L_simem_size_0:
called_computation_lowered:
.L_overlay_start_0:
0x88: {  	s2 =	sld [smem:$0x3FD9]  }
0x89: {  	s3 =	sld [smem:$0x3FFE];
	_ =	sdelay $0x1  }
0x8a: {  	s1 =	srdreg.scid  }
0x8b: {  	s0 =	sand.u32 $0x1, s1  }
0x8c: {  	s18 =	sshll.u32 s0, $0xA;
	s2 =	sadd.s32 s3, s2  }
0x8d: {  	s2 =	sadd.s32 s2, s18  }
0x8e: {  	[smem:$0x3FC6] =	sst s2  }
0x8f: {  	_ = 	snop  }
0x90: {  	s2 =	sld [smem:$0x3FC8]  }
0x91: {  	s19 =	sld [smem:$0x3FD0];
	(tm) =	ssettm $0x1  }
0x92: {  	s4 =	sld [smem:$0x3FFB];
	_ =	sdelay $0x3  }
0x93: {  	_ =	strace s4  }
0x94: {  	s4 =	sld [smem:$0x3FFC];
	_ =	sdelay $0x3  }
0x95: {  	_ =	strace s4  }
0x96: {  	s4 =	sld [smem:$0x3FFD];
	_ =	sdelay $0x3  }
0x97: {  	_ =	strace s4  }
0x98: {  	_ =	strace $0x8FFFFFFF  }
0x99: {  	s20 =	sld [smem:$0x3FDB];
	_ =	sdelay $0x1  }
0x9a: {  	s5 =	simm.s32 $_scs_section_size  }
0x9b: {  	s6 =	simm.s32 $_size__tile_overlayer_lowered;
	s7 =	simm.s32 $_tile_overlayer_lowered  }
0x9c: {  	s23 =	simm.s32 $0x1BFF;
	s22 =	sshll.u32 s7, $0x1;
	s4 =	sadd.s32 s5, s20  }
0x9d: {  	s8 =	simm.s32 $0x0;
	s21 =	sshll.u32 s6, $0x1;
	s6 =	sadd.s32 s22, s4  }
0x9e: {  	[timem:s8], [sflag:s23] =	dma.local [hbm:s6], s21  }
0x9f: {  	_ =	swait.ge [sflag:s23], s21  }
0xa0: {  	s5 =	ssub.s32 $0x0, s21;
	[sflag:s23] =	ssyncset.done $0x0  }
0xa1: {  	[sflag:s23] =	ssyncadd.s32 s5;
	_ =	sdelay $0x1  }
0xa2: {  	s24 =	simm.s32 $0x1B8B  }
0xa3: {  	_ =	swait.ge [sflag:s24], $0x1  }
0xa4: {  	[sflag:s24] =	ssyncset.done $0x0  }
0xa5: {  	s25 =	simm.s32 $0x1B8E;
	[sflag:s24] =	ssyncadd.s32 $0xFFFFFFFF  }
0xa6: {  	s26 =	simm.s32 $execute0_lowered;
	[smem:$0x3FD2] =	sst s25  }
0xa7: {  	s5 =	sshll.u32 s26, $0x1;
	_ =	strace $0x80000046;
	[dreg:$0x1] =	wrdreg $0xFFFFFFFF  }
0xa8: {  	s28 =	simm.s32 $_size_execute0_lowered;
	s4 =	sadd.s32 s4, s5;
	[dreg:$0x0] =	wrdreg $0x0  }
0xa9: {  	s5 =	sshll.u32 s28, $0x1;
	[dreg:$0x2] =	wrdreg s4  }
0xaa: {  	[dreg:$0x3] =	wrdreg s5  }
0xab: {  	[dreg:$0x4] =	wrdreg $0xC0  }
0xac: {  	_ =	task [dreg:s8], $0x5FFFF  }
0xad: {  	[dreg:$0x1] =	wrdreg $0xFFFFFFFF  }
0xae: {  	[dreg:$0x0] =	wrdreg $0x60  }
0xaf: {  	[dreg:$0x2] =	wrdreg s2  }
0xb0: {  	[dreg:$0x3] =	wrdreg s19  }
0xb1: {  	[dreg:$0x4] =	wrdreg $0x0  }
0xb2: {  	[dreg:$0x5] =	wrdreg $0x9  }
0xb3: {  	_ =	task.clear_ibuf [dreg:s8], $0x6FFFF;
	_ =	strace $0x90000046  }
0xb4: {  	s29 =	simm.s32 $0x9;
	_ =	strace $0x80000048  }
0xb5: {  	_ =	swait.ge [sflag:s29], $0x1  }
0xb6: {  	[sflag:s29] =	ssyncadd.s32 $0xFFFFFFFF  }
0xb7: {  	_ =	strace $0x90000048  }
0xb8: {  	_ =	sfence  }
0xb9: {  	s30 =	sld [smem:$0x0];
	_ =	sdelay $0x2  }
0xba: {  	s31 =	sshll.u32 s1, $0xD;
	s1 =	sshrl.u32 s1, $0x2  }
0xbb: {  	s3 =	sand.u32 $0x4000, s31;
	s1 =	sadd.s32 s1, s30  }
0xbc: {  	s0 =	sor.u32 s3, s0;
	s1 =	sshll.u32 s1, $0x11  }
0xbd: {  	s0 =	sor.u32 s1, s0  }
0xbe: {  	s0 =	sadd.s32 $0x8F2B, s0  }
0xbf: {  	[sflag:s0] =	ssyncadd.remote.s32 $0x1  }
0xc0: {  	_ =	sfence.sel $0xFFFF  }
0xc1: {  	[dreg:$0x0] =	wrdreg $0xFFFFFFFF;
	(pc) =	sbr.abs _section_cstart, $3  }
0xc2: {  	[dreg:$0x1] =	wrdreg $0xFFFFFFFF  }
0xc3: {  	_ =	task.clear_ibuf [dreg:s8], $0x2FFFF;
	_ =	strace $0x9FFFFFFF  }
0xc4: {  	(tm) =	ssettm $0x7FFFFFFF  }
0xc5: {  	_ =	shalt  }
tec
execute0_lowered:
.L_overlay_start_1:
0x0: {  	(tag) =	ssettag $0x1  }
0x1: {  	s0 =	srdreg.scid  }
0x2: {  	s0 =	sand.u32 $0x1, s0  }
0x3: {  	p0 =	seq.s32 s0, $0x1  }
.Ltmp0:
0x4: {  	s21 =	rddreg [dreg:$0x0];
	(pc) =	sbr.rel @p0 .LBB2_14-.Ltmp0, $4  }
0x5: {  	s4 =	rddreg [dreg:$0x1]  }
0x6: {  	s3 =	rddreg [dreg:$0x2];
	s1 =	simm.s32 $0x0  }
0x7: {  	[smem:$0x7FF] =	sst s1  }
0x8: {  	s2 =	rddreg [dreg:$0x3];
	s1 =	stileid.u32;
	_ =	strace $0x80000047  }
0x9: {  	s24 =	sadd.s32 $0x27000, s3;
	s7 =	sor.u32 $0x10, s1;
	s23 =	sshll.u32 s1, $0x4  }
0xa: {  	s0 =	sshll.u32 s1, $0xB;
	s5 =	smul.u32 $0x500, s1;
	s20 =	sor.u32 $0x20, s1  }
0xb: {  	s22 =	sor.u32 $0x30, s1;
	s28 =	sor.u32 $0x40, s1;
	s11 =	smul.u32 $0x500, s7  }
0xc: {  	s2 =	sshll.u32 s7, $0xB;
	s29 =	sadd.s32 s0, s3;
	s16 =	smul.u32 $0x500, s20  }
0xd: {  	s13 =	sshll.u32 s20, $0xB;
	s15 =	sshll.u32 s22, $0xB;
	s17 =	smul.u32 $0x500, s22  }
0xe: {  	s22 =	smul.u32 $0x500, s28;
	s26 =	sadd.s32 s2, s3;
	s25 =	sshrl.u32 s5, $0x3  }
0xf: {  	s31 =	sadd.s32 s15, s3;
	s6 =	sshrl.u32 s11, $0x3;
	s14 =	sadd.s32 s4, s25  }
0x10: {  	s8 =	sshrl.u32 s16, $0x3;
	s2 =	sshrl.u32 s17, $0x3;
	s18 =	sshrl.u32 s22, $0x3  }
0x11: {  	s25 =	sadd.s32 $0x19000, s5;
	s17 =	sadd.s32 s17, s3;
	s12 =	sadd.s32 s4, s6  }
0x12: {  	s10 =	sadd.s32 s4, s8;
	s9 =	sadd.s32 s4, s2;
	s2 =	sor.u32 $0x70, s1  }
0x13: {  	s19 =	sshrl.u32 s25, $0x3;
	s8 =	sadd.s32 $0x1E000, s5;
	s15 =	sadd.s32 s25, s3  }
0x14: {  	s25 =	sadd.s32 s21, s23;
	[dreg:$0x7] =	wrdreg s9;
	s6 =	smul.u32 $0x500, s2  }
0x15: {  	s9 =	sadd.s32 s4, s18;
	s0 =	sadd.s32 s4, s19;
	s20 =	sshrl.u32 s8, $0x3  }
0x16: {  	[dreg:$0x6] =	wrdreg s0;
	s0 =	sadd.s32 s4, s20;
	s20 =	sshll.u32 s28, $0xB  }
0x17: {  	s18 =	sshrl.u32 s6, $0x3;
	[dreg:$0x5] =	wrdreg s0;
	s0 =	sadd.s32 s13, s3  }
0x18: {  	s30 =	sadd.s32 s20, s3;
	s20 =	sadd.s32 s5, s3;
	s13 =	sadd.s32 s8, s3  }
0x19: {  	s5 =	simm.s32 $0x0;
	s19 =	sadd.s32 s4, s18;
	s18 =	sadd.s32 s16, s3  }
0x1a: {  	s16 =	sadd.s32 s22, s3;
	s22 =	ssub.s32 $0x4E2, s1;
	s4 =	simm.s32 $0x40  }
0x1b: {  	v0 =	vimm.f32 $0.0e+00;
	[dreg:$0x4] =	wrdreg s19;
	s19 =	sadd.s32 s11, s3;
	s11 =	sadd.s32 s6, s3  }
.LBB2_2:
0x1c: {  	p0 =	sne.s32 s4, $0x1FC0;
	[tilespmem:s5+$0x2810] =	vst v0;
	s5 =	smov.u32 s4;
	s4 =	sadd.s32 $0x40, s4  }
.Ltmp1:
0x1d: {  	(pc) =	sbr.rel @p0 .LBB2_2-.Ltmp1, $2  }
0x1e: {  	_ =	sdelay $0x2  }
0x1f: {  	s5 =	sshra.s32 s5, $0x2  }
0x20: {  	[tilespmem:s5+$0x2810] =	vst v0;
	s4 =	simm.s32 $0x2810  }
0x21: {  	[spmem:s29] =	stream.linear.scatter [tilespmem:s4], [sflag:$0x3], $0x800, $0x38;
	[tilespmem:$0x3010] =	vst v63  }
0x22: {  	s29 =	simm.s32 $0x3  }
0x23: {  	_ =	swait.ge [sflag:s29], $0x800  }
0x24: {  	[sflag:s29] =	ssyncset.done $0x0  }
0x25: {  	[sflag:s29] =	ssyncadd.s32 $0xFFFFF800  }
0x26: {  	[spmem:s26] =	stream.linear.scatter [tilespmem:s4], [sflag:$0x3], $0x800, $0x38;
	[tilespmem:$0x3010] =	vst v63  }
0x27: {  	_ =	swait.ge [sflag:s29], $0x800  }
0x28: {  	[sflag:s29] =	ssyncset.done $0x0  }
0x29: {  	[sflag:s29] =	ssyncadd.s32 $0xFFFFF800  }
0x2a: {  	[spmem:s0] =	stream.linear.scatter [tilespmem:s4], [sflag:$0x3], $0x800, $0x38;
	[tilespmem:$0x3010] =	vst v63  }
0x2b: {  	_ =	swait.ge [sflag:s29], $0x800  }
0x2c: {  	[sflag:s29] =	ssyncset.done $0x0  }
0x2d: {  	[sflag:s29] =	ssyncadd.s32 $0xFFFFF800  }
0x2e: {  	[spmem:s31] =	stream.linear.scatter [tilespmem:s4], [sflag:$0x3], $0x800, $0x38;
	[tilespmem:$0x3010] =	vst v63  }
0x2f: {  	_ =	swait.ge [sflag:s29], $0x800  }
0x30: {  	p0 =	sgt.u32 s28, $0x4D;
	[sflag:s29] =	ssyncset.done $0x0  }
0x31: {  	s0 =	simm.s32 @!p0 $0x2810;
	[sflag:s29] =	ssyncadd.s32 $0xFFFFF800  }
0x32: {  	[spmem:s30] =	stream.linear.scatter @!p0 [tilespmem:s0], [sflag:$0x3], $0x800, $0x38;
	[tilespmem:$0x3010] =	vst v63  }
0x33: {  	s0 =	simm.s32 @!p0 $0x3  }
0x34: {  	p1 =	sne.s32 @!p0 s1, $0x0;
	_ =	swait.ge @!p0 [sflag:s0], $0x800  }
0x35: {  	p1 =	por p1, p0;
	[sflag:s0] =	ssyncset.done @!p0 $0x0  }
0x36: {  	[sflag:s0] =	ssyncadd.s32 @!p0 $0xFFFFF800;
	s0 =	simm.s32 @!p1 $0x2810  }
0x37: {  	[spmem:s24] =	stream.linear.scatter @!p1 [tilespmem:s0], [sflag:$0x3], $0x100, $0x38;
	[tilespmem:$0x3010] =	vst v63  }
0x38: {  	s0 =	simm.s32 @!p1 $0x3  }
0x39: {  	_ =	swait.ge @!p1 [sflag:s0], $0x100  }
0x3a: {  	[sflag:s0] =	ssyncset.done @!p1 $0x0  }
0x3b: {  	v0 =	vimm.f32 $1.000000000e+00;
	s4 =	simm.s32 $0x0;
	[sflag:s0] =	ssyncadd.s32 @!p1 $0xFFFFFF00;
	s0 =	simm.s32 $0x40  }
.LBB2_4:
0x3c: {  	p0 =	sne.s32 s0, $0x1FC0;
	[tilespmem:s4+$0x2810] =	vst v0;
	s4 =	smov.u32 s0;
	s0 =	sadd.s32 $0x40, s0  }
.Ltmp2:
0x3d: {  	(pc) =	sbr.rel @p0 .LBB2_4-.Ltmp2, $2  }
0x3e: {  	_ =	sdelay $0x2  }
0x3f: {  	s4 =	sshra.s32 s4, $0x2  }
.Ltmp3:
0x40: {  	s24 =	simm.s32 $0x0;
	s26 =	simm.s32 $0x2710;
	(pc) =	sbr.rel .LBB2_6-.Ltmp3, $4  }
0x41: {  	[tilespmem:s4+$0x2810] =	vst v0;
	s0 =	sadd.s32 s23, s21;
	s23 =	simm.s32 $0x1;
	s28 =	simm.s32 $0x2810  }
0x42: {  	s29 =	simm.s32 $0x2;
	s30 =	simm.s32 $0x2790;
	[bflag:$0x0] =	sbarrier.arrive $0xFFFF  }
0x43: {  	[tilespmem:s26], [sflag:$0x1] =	stream.linear.gather [hbm4b:s25+s24], $0x80, $0x38;
	[tilespmem:$0x3010] =	vst v63  }
0x44: {  	s31 =	simm.s32 $0x0;
	s21 =	sadd.s32 $0x100, s0;
	s25 =	simm.s32 $0x80  }
.LBB2_11:
0x45: {  	_ =	swait.ge [sflag:s0], $0x800  }
0x46: {  	[sflag:s0] =	ssyncset.done $0x0  }
0x47: {  	[sflag:s0] =	ssyncadd.s32 $0xFFFFF800  }
.LBB2_12:
0x48: {  	s31 =	sadd.s32 $0x1, s31  }
0x49: {  	p0 =	sne.s32 s31, $0x4F  }
.Ltmp4:
0x4a: {  	_ = 	snop;
	(pc) =	sbr.rel @!p0 .LBB2_13-.Ltmp4, $2  }
0x4b: {  	_ =	sdelay $0x2  }
0x4c: {  	s21 =	sadd.s32 $0x100, s21;
	s24 =	sadd.s32 $0x10, s24  }
.LBB2_6:
0x4d: {  	s0 =	sand.u32 $0x1, s31  }
0x4e: {  	p1 =	seq.s32 s0, $0x1  }
.Ltmp5:
0x4f: {  	_ = 	snop;
	(pc) =	sbr.rel @p1 .LBB2_9-.Ltmp5, $3  }
0x50: {  	_ =	sdelay $0x1  }
0x51: {  	s8 =	sadd.s32 s24, s7  }
0x52: {  	p0 =	sgt.u32 s8, $0x4E1  }
0x53: {  	s0 =	simm.s32 @!p0 $0x0;
	s4 =	simm.s32 @!p0 $0x2790  }
0x54: {  	[tilespmem:s4], [sflag:$0x2] =	stream.linear.gather @!p0 [hbm4b:s21+s0], $0x80, $0x38;
	[tilespmem:$0x3010] =	vst v63  }
0x55: {  	p0 =	sge.u32 s24, s22  }
.Ltmp6:
0x56: {  	_ = 	snop;
	(pc) =	sbr.rel @p0 .LBB2_12-.Ltmp6, $1  }
0x57: {  	_ =	sdelay $0x3  }
.Ltmp7:
0x58: {  	(pc) =	sbr.rel .LBB2_11-.Ltmp7, $4  }
0x59: {  	_ =	swait.ge [sflag:s23], $0x80  }
0x5a: {  	[sflag:s23] =	ssyncset.done $0x0  }
0x5b: {  	s0 =	simm.s32 $0x4;
	[sflag:s23] =	ssyncadd.s32 $0xFFFFFF80  }
0x5c: {  	[spmem:s3] =	stream.indirect.scatter.add.f32 [tilespmem:s28], [sflag:$0x4], $0x10, s26, s25, $0xb8;
	[tilespmem:$0x3010] =	vst v63  }
.LBB2_9:
0x5d: {  	s0 =	simm.s32 @!p0 $0x0;
	s4 =	simm.s32 @!p0 $0x2710  }
0x5e: {  	[tilespmem:s4], [sflag:$0x1] =	stream.linear.gather @!p0 [hbm4b:s21+s0], $0x80, $0x38;
	[tilespmem:$0x3010] =	vst v63  }
0x5f: {  	p0 =	sge.u32 s24, s22  }
.Ltmp8:
0x60: {  	_ = 	snop;
	(pc) =	sbr.rel @p0 .LBB2_12-.Ltmp8, $1  }
0x61: {  	_ =	sdelay $0x3  }
.Ltmp9:
0x62: {  	(pc) =	sbr.rel .LBB2_11-.Ltmp9, $4  }
0x63: {  	_ =	swait.ge [sflag:s29], $0x80  }
0x64: {  	[sflag:s29] =	ssyncset.done $0x0  }
0x65: {  	s0 =	simm.s32 $0x3;
	[sflag:s29] =	ssyncadd.s32 $0xFFFFFF80  }
0x66: {  	[spmem:s3] =	stream.indirect.scatter.add.f32 [tilespmem:s28], [sflag:$0x3], $0x10, s30, s25, $0xb8;
	[tilespmem:$0x3010] =	vst v63  }
.LBB2_13:
0x67: {  	s0 =	sshll.u32 s1, $0x6;
	[bflag:$0x0] =	sbarrier.arrive $0xFFFF  }
0x68: {  	s3 =	sshrl.u32 s20, $0x3;
	s23 =	simm.s32 $0x3;
	s0 =	sor.u32 $0x1C03, s0  }
0x69: {  	[hbm:s14], [sflag:s0] =	dma.local [spmem:s3], $0xA0  }
0x6a: {  	_ =	swait.ge [sflag:s23], $0xA0  }
0x6b: {  	[sflag:s23] =	ssyncset.done $0x0  }
0x6c: {  	s4 =	sshrl.u32 s19, $0x3;
	[sflag:s23] =	ssyncadd.s32 $0xFFFFFF60  }
0x6d: {  	[hbm:s12], [sflag:s0] =	dma.local [spmem:s4], $0xA0  }
0x6e: {  	_ =	swait.ge [sflag:s23], $0xA0  }
0x6f: {  	[sflag:s23] =	ssyncset.done $0x0  }
0x70: {  	s24 =	sshrl.u32 s18, $0x3;
	[sflag:s23] =	ssyncadd.s32 $0xFFFFFF60  }
0x71: {  	[hbm:s10], [sflag:s0] =	dma.local [spmem:s24], $0xA0  }
0x72: {  	_ =	swait.ge [sflag:s23], $0xA0  }
0x73: {  	[sflag:s23] =	ssyncset.done $0x0  }
0x74: {  	s25 =	sshrl.u32 s17, $0x3;
	s5 =	rddreg [dreg:$0x7];
	[sflag:s23] =	ssyncadd.s32 $0xFFFFFF60  }
0x75: {  	[hbm:s5], [sflag:s0] =	dma.local [spmem:s25], $0xA0  }
0x76: {  	_ =	swait.ge [sflag:s23], $0xA0  }
0x77: {  	[sflag:s23] =	ssyncset.done $0x0  }
0x78: {  	s26 =	sshrl.u32 s16, $0x3;
	[sflag:s23] =	ssyncadd.s32 $0xFFFFFF60  }
0x79: {  	[hbm:s9], [sflag:s0] =	dma.local [spmem:s26], $0xA0  }
0x7a: {  	_ =	swait.ge [sflag:s23], $0xA0  }
0x7b: {  	[sflag:s23] =	ssyncset.done $0x0  }
0x7c: {  	s28 =	sshrl.u32 s15, $0x3;
	s29 =	rddreg [dreg:$0x6];
	[sflag:s23] =	ssyncadd.s32 $0xFFFFFF60  }
0x7d: {  	[hbm:s29], [sflag:s0] =	dma.local [spmem:s28], $0xA0  }
0x7e: {  	_ =	swait.ge [sflag:s23], $0xA0  }
0x7f: {  	[sflag:s23] =	ssyncset.done $0x0  }
0x80: {  	s30 =	sshrl.u32 s13, $0x3;
	s31 =	rddreg [dreg:$0x5];
	[sflag:s23] =	ssyncadd.s32 $0xFFFFFF60  }
0x81: {  	[hbm:s31], [sflag:s0] =	dma.local [spmem:s30], $0xA0  }
0x82: {  	_ =	swait.ge [sflag:s23], $0xA0  }
0x83: {  	p0 =	sgt.u32 s2, $0x7C;
	[sflag:s23] =	ssyncset.done $0x0  }
0x84: {  	s2 =	sshrl.u32 @!p0 s11, $0x3;
	s3 =	rddreg [dreg:$0x4];
	[sflag:s23] =	ssyncadd.s32 $0xFFFFFF60  }
0x85: {  	[hbm:s3], [sflag:s0] =	dma.local @!p0 [spmem:s2], $0xA0  }
0x86: {  	s0 =	simm.s32 @!p0 $0x3  }
0x87: {  	_ =	swait.ge @!p0 [sflag:s0], $0xA0  }
0x88: {  	[sflag:s0] =	ssyncset.done @!p0 $0x0  }
0x89: {  	[sflag:s0] =	ssyncadd.s32 @!p0 $0xFFFFFF60  }
0x8a: {  	s2 =	rddreg [dreg:$0x3]  }
.LBB2_14:
0x8b: {  	_ =	sfence.sel $0x180000  }
0x8c: {  	[bflag:$0x0] =	sbarrier.arrive $0xFFFF  }
0x8d: {  	p0 =	sne.s32 s1, $0x0;
	_ =	strace $0x90000047  }
0x8e: {  	s0 =	sadd.s32 @!p0 $0x100000, s2;
	[bflag:$0x2] =	sbarrier.arrive $0xFFFF  }
0x8f: {  	[sflag:s0] =	ssyncadd.tile.s32 @!p0 $0x1;
	_ =	shalt  }
.Lfunc_end2:
_tile_overlayer_lowered:
.L_overlay_start_2:
0x90: {  	(tag) =	ssettag $0x2  }
0x91: {  	s0 =	rddreg [dreg:$0x0];
	s2 =	stileid.u32  }
0x92: {  	s1 =	rddreg [dreg:$0x1];
	p0 =	sne.s32 s2, $0x0  }
0x93: {  	s3 =	rddreg [dreg:$0x2];
	[bflag:$0x3] =	sbarrier.arrive $0xFFFF;
	s2 =	simm.s32 @!p0 $0x1C03  }
0x94: {  	[timem:s3], [sflag:s2] =	dma.local @!p0 [hbm:s0], s1  }
0x95: {  	s0 =	simm.s32 @!p0 $0x3  }
0x96: {  	_ =	swait.ge @!p0 [sflag:s0], s1  }
0x97: {  	s1 =	ssub.s32 @!p0 $0x0, s1;
	[sflag:s0] =	ssyncset.done @!p0 $0x0  }
0x98: {  	[sflag:s0] =	ssyncadd.s32 @!p0 s1  }
0x99: {  	[bflag:$0x3] =	sbarrier.arrive $0xFFFF  }
0x9a: {  	_ =	shalt  }

// kernel: kernel.7.cloned.1.call-start
scs
__scs_entry_jumppad:
0x0: {  	(pc) =	sbr.rel $0x88, $3  }
0x1: {  	(tag) =	ssettag $0x0;
	lr =	simm.s32 $0x1  }
0x2: {  	[smem:$0x3F9F] =	sst lr;
	_ =	strace $0xD0000000  }
0x3: {  	_ = 	snop  }
0x4: {  	_ = 	snop  }
0x5: {  	_ = 	snop  }
0x6: {  	_ = 	snop  }
0x7: {  	_ = 	snop  }
__scs_overlays_trampoline_lowered:
0x8: {  	[smem:$0x3FAE] =	sst s0  }
0x9: {  	[smem:$0x3FAF] =	sst s1  }
0xa: {  	[smem:$0x3FB0] =	sst s2  }
0xb: {  	[smem:$0x3FB1] =	sst s3  }
0xc: {  	[smem:$0x3FB2] =	sst s4  }
0xd: {  	[smem:$0x3FB3] =	sst s5  }
0xe: {  	[smem:$0x3FB4] =	sst s6  }
0xf: {  	[smem:$0x3FB5] =	sst s7  }
0x10: {  	[smem:$0x3FB6] =	sst s8  }
0x11: {  	[smem:$0x3FB7] =	sst s9;
	s0 =	simm.s32 @!p0 $0x0  }
0x12: {  	s1 =	sld [smem:$0x3F9D];
	s0 =	simm.s32 @p0 $0x1  }
0x13: {  	[smem:$0x3FB8] =	sst s0;
	s0 =	simm.s32 @!p1 $0x0  }
0x14: {  	s2 =	sld [smem:$0x3F9C];
	s0 =	simm.s32 @p1 $0x1  }
0x15: {  	[smem:$0x3FB9] =	sst s0;
	s0 =	simm.s32 @!p2 $0x0  }
0x16: {  	s3 =	sld [smem:$0x3FDB];
	s0 =	simm.s32 @p2 $0x1  }
0x17: {  	s4 =	simm.s32 $0x1BF5;
	[smem:$0x3FBB] =	sst s0  }
0x18: {  	s0 =	sld [smem:$0x3F9E];
	_ =	swait.ge [sflag:s4], $0x0  }
0x19: {  	s7 =	sld [smem:$0x3F9F]  }
0x1a: {  	s8 =	sadd.s32 $0xFFFFE003, lr  }
0x1b: {  	s9 =	sadd.s32 $0xFFFFFEF7, lr;
	s5 =	simm.s32 $0xFFFFFFFF;
	p2 =	slt.u32 s8, $0xFFFFF086  }
0x1c: {  	p1 =	slt.u32 s9, $0xF7A;
	s5 =	simm.s32 @!p2 $0x0  }
0x1d: {  	s5 =	simm.s32 @p1 $0x1;
	p0 =	seq.s32 s7, s2  }
0x1e: {  	s7 =	smul.u32 @!p0 $0xF7A, s2;
	p2 =	seq.s32 @!p0 s5, $0x0  }
0x1f: {  	s9 =	smul.u32 $0xF7A, s1;
	s8 =	simm.s32 @!p0 $0x1BF5;
	p2 =	por !p2, p0  }
0x20: {  	[sflag:s8] =	ssyncset.s32 @!p0 $0xFFFFF086;
	s6 =	sadd.s32 @!p0 s3, s7;
	s7 =	simm.s32 @!p0 $0x108  }
0x21: {  	s3 =	sadd.s32 s3, s9;
	s6 =	sadd.s32 @!p0 $0x88, s6;
	s7 =	simm.s32 @p2 $0x1082  }
0x22: {  	[simem:s7], [sflag:s8] =	dma.local @!p0 [hbm:s6], $0xF7A  }
0x23: {  	s9 =	sor.u32 $0xD0000000, s2;
	s6 =	simm.s32 $0x108;
	_ =	swait.ge @!p0 [sflag:s8], $0x0  }
0x24: {  	s3 =	sadd.s32 $0x88, s3;
	s6 =	simm.s32 @!p1 $0x1082;
	[sflag:s4] =	ssyncset.s32 $0xFFFFF086  }
0x25: {  	[simem:s6], [sflag:s4] =	dma.local [hbm:s3], $0xF7A  }
0x26: {  	[smem:$0x3F9F] =	sst s1;
	(tag) =	ssettag s2;
	_ =	strace s9  }
0x27: {  	s1 =	sld [smem:$0x3FAF]  }
0x28: {  	s2 =	sld [smem:$0x3FB0]  }
0x29: {  	s4 =	sld [smem:$0x3FB2]  }
0x2a: {  	p0 =	seq.s32 s5, $0x0;
	s5 =	sld [smem:$0x3FB3]  }
0x2b: {  	s6 =	sld [smem:$0x3FB4]  }
0x2c: {  	s7 =	sld [smem:$0x3FB5]  }
0x2d: {  	s3 =	simm.s32 $0x108;
	s8 =	sld [smem:$0x3FB6]  }
0x2e: {  	s3 =	simm.s32 @!p0 $0x1082;
	s9 =	sld [smem:$0x3FB7]  }
0x2f: {  	lr =	sadd.s32 s0, s3;
	s0 =	sld [smem:$0x3FAE]  }
0x30: {  	s3 =	sld [smem:$0x3FB1]  }
0x31: {  	[smem:$0x3FBA] =	sst s10  }
0x32: {  	s10 =	sld [smem:$0x3FB8];
	_ =	sdelay $0x3  }
0x33: {  	p0 =	seq.s32 s10, $0x1;
	s10 =	sld [smem:$0x3FBA];
	_ =	sdelay $0x3  }
0x34: {  	[smem:$0x3FBA] =	sst s10  }
0x35: {  	s10 =	sld [smem:$0x3FB9];
	_ =	sdelay $0x3  }
0x36: {  	p1 =	seq.s32 s10, $0x1;
	s10 =	sld [smem:$0x3FBA];
	_ =	sdelay $0x3  }
0x37: {  	[smem:$0x3FBA] =	sst s10  }
0x38: {  	s10 =	sld [smem:$0x3FBB]  }
0x39: {  	_ = 	snop;
	(pc) =	sbr.ind lr, $3  }
0x3a: {  	_ = 	snop  }
0x3b: {  	_ = 	snop  }
0x3c: {  	p2 =	seq.s32 s10, $0x1;
	s10 =	sld [smem:$0x3FBA]  }
0x3d: {  	_ =	shalt  }
0x3e: {  	_ =	shalt  }
0x3f: {  	_ =	shalt  }
0x40: {  	_ =	shalt  }
0x41: {  	_ =	shalt  }
0x42: {  	_ =	shalt  }
0x43: {  	_ =	shalt  }
0x44: {  	_ =	shalt  }
0x45: {  	_ =	shalt  }
0x46: {  	_ =	shalt  }
0x47: {  	_ =	shalt  }
0x48: {  	_ =	shalt  }
0x49: {  	_ =	shalt  }
0x4a: {  	_ =	shalt  }
0x4b: {  	_ =	shalt  }
0x4c: {  	_ =	shalt  }
0x4d: {  	_ =	shalt  }
0x4e: {  	_ =	shalt  }
0x4f: {  	_ =	shalt  }
0x50: {  	_ =	shalt  }
0x51: {  	_ =	shalt  }
0x52: {  	_ =	shalt  }
0x53: {  	_ =	shalt  }
0x54: {  	_ =	shalt  }
0x55: {  	_ =	shalt  }
0x56: {  	_ =	shalt  }
0x57: {  	_ =	shalt  }
0x58: {  	_ =	shalt  }
0x59: {  	_ =	shalt  }
0x5a: {  	_ =	shalt  }
0x5b: {  	_ =	shalt  }
0x5c: {  	_ =	shalt  }
0x5d: {  	_ =	shalt  }
0x5e: {  	_ =	shalt  }
0x5f: {  	_ =	shalt  }
0x60: {  	_ =	shalt  }
0x61: {  	_ =	shalt  }
0x62: {  	_ =	shalt  }
0x63: {  	_ =	shalt  }
0x64: {  	_ =	shalt  }
0x65: {  	_ =	shalt  }
0x66: {  	_ =	shalt  }
0x67: {  	_ =	shalt  }
0x68: {  	_ =	shalt  }
0x69: {  	_ =	shalt  }
0x6a: {  	_ =	shalt  }
0x6b: {  	_ =	shalt  }
0x6c: {  	_ =	shalt  }
0x6d: {  	_ =	shalt  }
0x6e: {  	_ =	shalt  }
0x6f: {  	_ =	shalt  }
0x70: {  	_ =	shalt  }
0x71: {  	_ =	shalt  }
0x72: {  	_ =	shalt  }
0x73: {  	_ =	shalt  }
0x74: {  	_ =	shalt  }
0x75: {  	_ =	shalt  }
0x76: {  	_ =	shalt  }
0x77: {  	_ =	shalt  }
0x78: {  	_ =	shalt  }
0x79: {  	_ =	shalt  }
0x7a: {  	_ =	shalt  }
0x7b: {  	_ =	shalt  }
0x7c: {  	_ =	shalt  }
0x7d: {  	_ =	shalt  }
0x7e: {  	_ =	shalt  }
0x7f: {  	_ =	shalt  }
0x80: {  	_ =	shalt  }
0x81: {  	_ =	shalt  }
0x82: {  	_ =	shalt  }
0x83: {  	_ =	shalt  }
0x84: {  	_ =	shalt  }
0x85: {  	_ =	shalt  }
0x86: {  	_ =	shalt  }
0x87: {  	_ =	shalt  }
.Lfunc_end0:
.L_simem_size_0:
called_computation.1_lowered:
.L_overlay_start_0:
0x88: {  	s2 =	sld [smem:$0x3FD9]  }
0x89: {  	s3 =	sld [smem:$0x3FFE];
	_ =	sdelay $0x1  }
0x8a: {  	s1 =	srdreg.scid  }
0x8b: {  	s0 =	sand.u32 $0x1, s1  }
0x8c: {  	s17 =	sshll.u32 s0, $0xA;
	s2 =	sadd.s32 s3, s2  }
0x8d: {  	s2 =	sadd.s32 s2, s17  }
0x8e: {  	[smem:$0x3FC6] =	sst s2  }
0x8f: {  	_ = 	snop  }
0x90: {  	s2 =	sld [smem:$0x3FC9]  }
0x91: {  	s18 =	sld [smem:$0x3FC8]  }
0x92: {  	s4 =	sld [smem:$0x3FD0];
	(tm) =	ssettm $0x1  }
0x93: {  	s5 =	sld [smem:$0x3FFB];
	_ =	sdelay $0x3  }
0x94: {  	_ =	strace s5  }
0x95: {  	s5 =	sld [smem:$0x3FFC];
	_ =	sdelay $0x3  }
0x96: {  	_ =	strace s5  }
0x97: {  	s5 =	sld [smem:$0x3FFD];
	_ =	sdelay $0x3  }
0x98: {  	_ =	strace s5  }
0x99: {  	_ =	strace $0x8FFFFFFF  }
0x9a: {  	s19 =	sld [smem:$0x3FDB];
	_ =	sdelay $0x1  }
0x9b: {  	s6 =	simm.s32 $_scs_section_size  }
0x9c: {  	s7 =	simm.s32 $_size__tile_overlayer_lowered;
	s8 =	simm.s32 $_tile_overlayer_lowered  }
0x9d: {  	s22 =	simm.s32 $0x1BFF;
	s21 =	sshll.u32 s8, $0x1;
	s5 =	sadd.s32 s6, s19  }
0x9e: {  	s9 =	simm.s32 $0x0;
	s20 =	sshll.u32 s7, $0x1;
	s7 =	sadd.s32 s21, s5  }
0x9f: {  	[timem:s9], [sflag:s22] =	dma.local [hbm:s7], s20  }
0xa0: {  	_ =	swait.ge [sflag:s22], s20  }
0xa1: {  	s6 =	ssub.s32 $0x0, s20;
	[sflag:s22] =	ssyncset.done $0x0  }
0xa2: {  	[sflag:s22] =	ssyncadd.s32 s6;
	_ =	sdelay $0x1  }
0xa3: {  	s23 =	simm.s32 $0x1B8B  }
0xa4: {  	_ =	swait.ge [sflag:s23], $0x1  }
0xa5: {  	[sflag:s23] =	ssyncset.done $0x0  }
0xa6: {  	s25 =	simm.s32 $0x1B8E;
	s24 =	sld [smem:$0x3FFE];
	[sflag:s23] =	ssyncadd.s32 $0xFFFFFFFF  }
0xa7: {  	s26 =	simm.s32 $execute0_lowered;
	[smem:$0x3FD2] =	sst s25  }
0xa8: {  	s7 =	sshll.u32 s26, $0x1;
	_ =	strace $0x80000049;
	[dreg:$0x1] =	wrdreg $0xFFFFFFFF  }
0xa9: {  	s28 =	simm.s32 $_size_execute0_lowered;
	s5 =	sadd.s32 s5, s7;
	[dreg:$0x0] =	wrdreg $0x0  }
0xaa: {  	s7 =	sshll.u32 s28, $0x1;
	[dreg:$0x2] =	wrdreg s5  }
0xab: {  	[dreg:$0x3] =	wrdreg s7  }
0xac: {  	[dreg:$0x4] =	wrdreg $0xC0  }
0xad: {  	_ =	task [dreg:s9], $0x5FFFF  }
0xae: {  	[dreg:$0x1] =	wrdreg $0xFFFFFFFF  }
0xaf: {  	[dreg:$0x0] =	wrdreg $0x60  }
0xb0: {  	[dreg:$0x2] =	wrdreg s2  }
0xb1: {  	[dreg:$0x3] =	wrdreg s18  }
0xb2: {  	[dreg:$0x4] =	wrdreg s24  }
0xb3: {  	[dreg:$0x5] =	wrdreg s4  }
0xb4: {  	[dreg:$0x6] =	wrdreg $0x0  }
0xb5: {  	[dreg:$0x7] =	wrdreg $0x9  }
0xb6: {  	_ =	task.clear_ibuf [dreg:s9], $0x8FFFF;
	_ =	strace $0x90000049  }
0xb7: {  	s29 =	simm.s32 $0x9;
	_ =	strace $0x8000004B  }
0xb8: {  	_ =	swait.ge [sflag:s29], $0x1  }
0xb9: {  	[sflag:s29] =	ssyncadd.s32 $0xFFFFFFFF  }
0xba: {  	_ =	strace $0x9000004B  }
0xbb: {  	_ =	sfence  }
0xbc: {  	s30 =	sld [smem:$0x0];
	_ =	sdelay $0x2  }
0xbd: {  	s31 =	sshll.u32 s1, $0xD;
	s1 =	sshrl.u32 s1, $0x2  }
0xbe: {  	s3 =	sand.u32 $0x4000, s31;
	s1 =	sadd.s32 s1, s30  }
0xbf: {  	s0 =	sor.u32 s3, s0;
	s1 =	sshll.u32 s1, $0x11  }
0xc0: {  	s0 =	sor.u32 s1, s0  }
0xc1: {  	s0 =	sadd.s32 $0x8F2B, s0  }
0xc2: {  	[sflag:s0] =	ssyncadd.remote.s32 $0x1  }
0xc3: {  	_ =	sfence.sel $0xFFFF  }
0xc4: {  	[dreg:$0x0] =	wrdreg $0xFFFFFFFF;
	(pc) =	sbr.abs _section_cstart, $3  }
0xc5: {  	[dreg:$0x1] =	wrdreg $0xFFFFFFFF  }
0xc6: {  	_ =	task.clear_ibuf [dreg:s9], $0x2FFFF;
	_ =	strace $0x9FFFFFFF  }
0xc7: {  	(tm) =	ssettm $0x7FFFFFFF  }
tec
execute0_lowered:
.L_overlay_start_1:
0x0: {  	(tag) =	ssettag $0x1  }
0x1: {  	s0 =	rddreg [dreg:$0x0]  }
0x2: {  	s7 =	rddreg [dreg:$0x1]  }
0x3: {  	s6 =	rddreg [dreg:$0x2]  }
0x4: {  	s1 =	rddreg [dreg:$0x3]  }
0x5: {  	s2 =	rddreg [dreg:$0x4]  }
0x6: {  	s3 =	simm.s32 $0x0;
	s5 =	srdreg.scid;
	s4 =	stileid.u32  }
0x7: {  	s28 =	simm.s32 $0x4;
	s29 =	simm.s32 $0x1B980;
	s30 =	simm.s32 $0x2  }
0x8: {  	s31 =	simm.s32 $0x13900;
	[smem:$0x7FF] =	sst s3;
	s8 =	sand.u32 $0x1, s5  }
0x9: {  	s10 =	sshll.u32 s4, $0xF;
	s6 =	sadd.s32 $0x800, s6;
	s14 =	sshll.u32 s4, $0x4  }
0xa: {  	s12 =	sadd.s32 $0x138000, s2;
	s20 =	sshll.u32 s4, $0xE;
	s23 =	sor.u32 $0x40, s4  }
0xb: {  	s26 =	sshll.u32 s4, $0xC;
	_ =	strace $0x8000004A;
	s9 =	ssub.s32 $0x2, s8  }
0xc: {  	s5 =	sshll.u32 s8, $0xA;
	[dreg:$0x6] =	wrdreg s12;
	s14 =	sadd.s32 s7, s14  }
0xd: {  	s16 =	sshll.u32 s8, $0x7;
	s13 =	sadd.s32 s20, s2;
	s25 =	sshll.u32 s23, $0xE  }
0xe: {  	p0 =	sgt.u32 s23, $0x4D;
	s20 =	simm.s32 $0x13980;
	s23 =	simm.s32 $0x400  }
0xf: {  	s11 =	sshrl.u32 s9, $0x1;
	s10 =	sor.u32 s5, s10;
	s24 =	sadd.s32 $0x80000, s13  }
0x10: {  	s17 =	smov.u32 s14;
	s18 =	sadd.s32 $0x100, s14;
	p1 =	sne.s32 @!p0 s4, $0x0  }
0x11: {  	s9 =	ssub.s32 s9, s11;
	s10 =	sshrl.u32 s10, $0x3;
	s11 =	ssub.s32 $0x4E2, s4  }
0x12: {  	[dreg:$0xa] =	wrdreg s24;
	p1 =	por p1, p0;
	s24 =	simm.s32 $0x800  }
0x13: {  	s15 =	sadd.s32 s0, s10;
	s10 =	sor.u32 $0x10, s4;
	s19 =	smax.u32 s9, $0x1  }
0x14: {  	s9 =	sadd.s32 s25, s2;
	s0 =	sadd.s32 s26, s0;
	s25 =	simm.s32 $0x1  }
.Ltmp0:
0x15: {  	s26 =	simm.s32 $0x80;
	[dreg:$0x7] =	wrdreg s15;
	(pc) =	sbr.rel .LBB2_1-.Ltmp0, $4  }
0x16: {  	[dreg:$0x8] =	wrdreg s19;
	s21 =	sshll.u32 s10, $0xE;
	s15 =	sadd.s32 $0xC0000, s13  }
0x17: {  	[dreg:$0xc] =	wrdreg s9;
	s0 =	sadd.s32 s16, s0;
	s22 =	sadd.s32 s21, s2  }
0x18: {  	[dreg:$0xb] =	wrdreg s15;
	s19 =	sadd.s32 $0x10000, s0;
	s21 =	simm.s32 $0x3  }
0x19: {  	v0 =	vimm.f32 $0.0e+00;
	s0 =	simm.s32 $0x17980;
	[dreg:$0x9] =	wrdreg s22;
	s22 =	simm.s32 $0x13880  }
.LBB2_17:
0x1a: {  	s3 =	sadd.s32 $0x1, s3;
	s7 =	rddreg [dreg:$0x8]  }
0x1b: {  	p2 =	sne.s32 s3, s7  }
.Ltmp1:
0x1c: {  	_ = 	snop;
	(pc) =	sbr.rel @!p2 .LBB2_18-.Ltmp1, $1  }
0x1d: {  	_ =	sdelay $0x3  }
.LBB2_1:
0x1e: {  	s7 =	simm.s32 $0x0;
	s8 =	simm.s32 $0x200  }
.LBB2_2:
0x1f: {  	p2 =	sne.s32 s8, $0xFE00;
	[tilespmem:s7+$0x139F0] =	vst v0  }
0x20: {  	[tilespmem:s7+$0x13980] =	vst v0  }
0x21: {  	[tilespmem:s7+$0x13990] =	vst v0  }
.Ltmp2:
0x22: {  	[tilespmem:s7+$0x139A0] =	vst v0;
	(pc) =	sbr.rel @p2 .LBB2_2-.Ltmp2, $4  }
0x23: {  	[tilespmem:s7+$0x139B0] =	vst v0  }
0x24: {  	[tilespmem:s7+$0x139C0] =	vst v0  }
0x25: {  	[tilespmem:s7+$0x139D0] =	vst v0  }
0x26: {  	[tilespmem:s7+$0x139E0] =	vst v0;
	s7 =	sshra.s32 s8, $0x2;
	s8 =	sadd.s32 $0x200, s8  }
0x27: {  	[tilespmem:s7+$0x139F0] =	vst v0  }
0x28: {  	[tilespmem:s7+$0x13980] =	vst v0  }
0x29: {  	[tilespmem:s7+$0x13990] =	vst v0  }
0x2a: {  	[tilespmem:s7+$0x139A0] =	vst v0  }
0x2b: {  	[tilespmem:s7+$0x139B0] =	vst v0  }
0x2c: {  	[tilespmem:s7+$0x139C0] =	vst v0  }
0x2d: {  	[tilespmem:s7+$0x139D0] =	vst v0  }
0x2e: {  	[tilespmem:s7+$0x139E0] =	vst v0  }
0x2f: {  	[spmem:s13] =	stream.linear.scatter [tilespmem:s20], [sflag:$0x3], $0x4000, $0x38;
	[tilespmem:$0x1E180] =	vst v63  }
0x30: {  	_ =	swait.ge [sflag:s21], $0x4000  }
0x31: {  	[sflag:s21] =	ssyncset.done $0x0  }
0x32: {  	s12 =	rddreg [dreg:$0x9];
	[sflag:s21] =	ssyncadd.s32 $0xFFFFC000  }
0x33: {  	[spmem:s12] =	stream.linear.scatter [tilespmem:s20], [sflag:$0x3], $0x4000, $0x38;
	[tilespmem:$0x1E180] =	vst v63  }
0x34: {  	_ =	swait.ge [sflag:s21], $0x4000  }
0x35: {  	[sflag:s21] =	ssyncset.done $0x0  }
0x36: {  	s14 =	rddreg [dreg:$0xa];
	[sflag:s21] =	ssyncadd.s32 $0xFFFFC000  }
0x37: {  	[spmem:s14] =	stream.linear.scatter [tilespmem:s20], [sflag:$0x3], $0x4000, $0x38;
	[tilespmem:$0x1E180] =	vst v63  }
0x38: {  	_ =	swait.ge [sflag:s21], $0x4000  }
0x39: {  	[sflag:s21] =	ssyncset.done $0x0  }
0x3a: {  	s15 =	rddreg [dreg:$0xb];
	[sflag:s21] =	ssyncadd.s32 $0xFFFFC000  }
0x3b: {  	[spmem:s15] =	stream.linear.scatter [tilespmem:s20], [sflag:$0x3], $0x4000, $0x38;
	[tilespmem:$0x1E180] =	vst v63  }
0x3c: {  	_ =	swait.ge [sflag:s21], $0x4000  }
0x3d: {  	[sflag:s21] =	ssyncset.done $0x0  }
0x3e: {  	s7 =	simm.s32 @!p0 $0x13980;
	s8 =	rddreg [dreg:$0xc];
	[sflag:s21] =	ssyncadd.s32 $0xFFFFC000  }
0x3f: {  	[spmem:s8] =	stream.linear.scatter @!p0 [tilespmem:s7], [sflag:$0x3], $0x4000, $0x38;
	[tilespmem:$0x1E180] =	vst v63  }
0x40: {  	s7 =	simm.s32 @!p0 $0x3  }
0x41: {  	_ =	swait.ge @!p0 [sflag:s7], $0x4000  }
0x42: {  	[sflag:s7] =	ssyncset.done @!p0 $0x0  }
0x43: {  	s8 =	rddreg [dreg:$0x6];
	[sflag:s7] =	ssyncadd.s32 @!p0 $0xFFFFC000;
	s7 =	simm.s32 @!p1 $0x13980  }
0x44: {  	[spmem:s8] =	stream.linear.scatter @!p1 [tilespmem:s7], [sflag:$0x3], $0x800, $0x38;
	[tilespmem:$0x1E180] =	vst v63  }
0x45: {  	s7 =	simm.s32 @!p1 $0x3  }
0x46: {  	_ =	swait.ge @!p1 [sflag:s7], $0x800  }
0x47: {  	[sflag:s7] =	ssyncset.done @!p1 $0x0  }
.Ltmp3:
0x48: {  	[sflag:s7] =	ssyncadd.s32 @!p1 $0xFFFFF800;
	(pc) =	sbr.rel .LBB2_4-.Ltmp3, $4  }
0x49: {  	s9 =	smov.u32 s18;
	s7 =	simm.s32 $0x0;
	[bflag:$0x0] =	sbarrier.arrive $0xFFFF  }
0x4a: {  	[tilespmem:s22], [sflag:$0x1] =	stream.linear.gather [hbm4b:s17+s7], $0x80, $0x38;
	[tilespmem:$0x1E180] =	vst v63  }
0x4b: {  	s12 =	simm.s32 $0x0;
	s8 =	smov.u32 s19;
	s16 =	rddreg [dreg:$0x7]  }
0x4c: {  	[tilespmem:s20], [sflag:$0x1] =	stream.strided.gather [hbm4b:s16+s23], $0x4000, s24, s23, $0x38;
	[tilespmem:$0x1E180] =	vst v63  }
.LBB2_9:
0x4d: {  	_ =	swait.ge [sflag:s14], $0x4000  }
0x4e: {  	[sflag:s14] =	ssyncset.done $0x0  }
0x4f: {  	[sflag:s14] =	ssyncadd.s32 $0xFFFFC000  }
.LBB2_10:
0x50: {  	s12 =	sadd.s32 $0x1, s12  }
0x51: {  	p2 =	sne.s32 s12, $0x4F  }
.Ltmp4:
0x52: {  	_ = 	snop;
	(pc) =	sbr.rel @!p2 .LBB2_11-.Ltmp4, $2  }
0x53: {  	_ =	sdelay $0x2  }
0x54: {  	s9 =	sadd.s32 $0x100, s9;
	s8 =	sadd.s32 $0x10000, s8;
	s7 =	sadd.s32 $0x10, s7  }
.LBB2_4:
0x55: {  	s14 =	sand.u32 $0x1, s12  }
0x56: {  	p3 =	seq.s32 s14, $0x1  }
.Ltmp5:
0x57: {  	_ = 	snop;
	(pc) =	sbr.rel @p3 .LBB2_7-.Ltmp5, $3  }
0x58: {  	_ =	sdelay $0x1  }
0x59: {  	s16 =	sadd.s32 s7, s10  }
0x5a: {  	p2 =	sgt.u32 s16, $0x4E1  }
0x5b: {  	s14 =	simm.s32 @!p2 $0x0;
	s15 =	simm.s32 @!p2 $0x13900  }
0x5c: {  	[tilespmem:s15], [sflag:$0x2] =	stream.linear.gather @!p2 [hbm4b:s9+s14], $0x80, $0x38;
	[tilespmem:$0x1E180] =	vst v63  }
0x5d: {  	s16 =	simm.s32 @!p2 $0x17980;
	s14 =	simm.s32 @!p2 $0x400;
	s15 =	simm.s32 @!p2 $0x800  }
0x5e: {  	[tilespmem:s16], [sflag:$0x2] =	stream.strided.gather @!p2 [hbm4b:s8+s14], $0x4000, s15, s14, $0x38;
	[tilespmem:$0x1E180] =	vst v63  }
0x5f: {  	p2 =	sge.u32 s7, s11  }
.Ltmp6:
0x60: {  	_ = 	snop;
	(pc) =	sbr.rel @p2 .LBB2_10-.Ltmp6, $1  }
0x61: {  	_ =	sdelay $0x3  }
0x62: {  	_ =	swait.ge [sflag:s25], $0x80  }
0x63: {  	[sflag:s25] =	ssyncset.done $0x0  }
.Ltmp7:
0x64: {  	[sflag:s25] =	ssyncadd.s32 $0xFFFFFF80;
	(pc) =	sbr.rel .LBB2_9-.Ltmp7, $4  }
0x65: {  	_ =	swait.ge [sflag:s25], $0x4000  }
0x66: {  	[sflag:s25] =	ssyncset.done $0x0  }
0x67: {  	s14 =	simm.s32 $0x4;
	[sflag:s25] =	ssyncadd.s32 $0xFFFFC000  }
0x68: {  	[spmem:s2] =	stream.indirect.scatter.add.f32 [tilespmem:s20], [sflag:$0x4], $0x80, s22, s26, $0xb8;
	[tilespmem:$0x1E180] =	vst v63  }
.LBB2_7:
0x69: {  	s14 =	simm.s32 @!p2 $0x0;
	s15 =	simm.s32 @!p2 $0x13880  }
0x6a: {  	[tilespmem:s15], [sflag:$0x1] =	stream.linear.gather @!p2 [hbm4b:s9+s14], $0x80, $0x38;
	[tilespmem:$0x1E180] =	vst v63  }
0x6b: {  	s16 =	simm.s32 @!p2 $0x13980;
	s14 =	simm.s32 @!p2 $0x400;
	s15 =	simm.s32 @!p2 $0x800  }
0x6c: {  	[tilespmem:s16], [sflag:$0x1] =	stream.strided.gather @!p2 [hbm4b:s8+s14], $0x4000, s15, s14, $0x38;
	[tilespmem:$0x1E180] =	vst v63  }
0x6d: {  	p2 =	sge.u32 s7, s11  }
.Ltmp8:
0x6e: {  	_ = 	snop;
	(pc) =	sbr.rel @p2 .LBB2_10-.Ltmp8, $1  }
0x6f: {  	_ =	sdelay $0x3  }
0x70: {  	_ =	swait.ge [sflag:s30], $0x80  }
0x71: {  	[sflag:s30] =	ssyncset.done $0x0  }
.Ltmp9:
0x72: {  	[sflag:s30] =	ssyncadd.s32 $0xFFFFFF80;
	(pc) =	sbr.rel .LBB2_9-.Ltmp9, $4  }
0x73: {  	_ =	swait.ge [sflag:s30], $0x4000  }
0x74: {  	[sflag:s30] =	ssyncset.done $0x0  }
0x75: {  	s14 =	simm.s32 $0x3;
	[sflag:s30] =	ssyncadd.s32 $0xFFFFC000  }
0x76: {  	[spmem:s2] =	stream.indirect.scatter.add.f32 [tilespmem:s0], [sflag:$0x3], $0x80, s31, s26, $0xb8;
	[tilespmem:$0x1E180] =	vst v63  }
.LBB2_11:
.Ltmp10:
0x77: {  	(pc) =	sbr.rel .LBB2_12-.Ltmp10, $3  }
0x78: {  	_ =	sdelay $0x1  }
0x79: {  	[bflag:$0x0] =	sbarrier.arrive $0xFFFF  }
0x7a: {  	s7 =	simm.s32 $0x0  }
.LBB2_16:
0x7b: {  	s7 =	sadd.s32 $0x1, s7  }
0x7c: {  	p2 =	sne.s32 s7, $0x8  }
.Ltmp11:
0x7d: {  	_ = 	snop;
	(pc) =	sbr.rel @!p2 .LBB2_17-.Ltmp11, $1  }
0x7e: {  	_ =	sdelay $0x3  }
.LBB2_12:
0x7f: {  	s8 =	sshll.u32 s7, $0x4  }
0x80: {  	s9 =	sor.u32 s4, s8  }
0x81: {  	p2 =	sgt.u32 s9, $0x7C  }
.Ltmp12:
0x82: {  	_ = 	snop;
	(pc) =	sbr.rel @p2 .LBB2_16-.Ltmp12, $1  }
0x83: {  	_ =	sdelay $0x3  }
0x84: {  	s8 =	smul.u32 $0xA000, s9;
	_ =	sdelay $0x1  }
0x85: {  	s8 =	sshra.s32 s8, $0x2  }
0x86: {  	s8 =	sadd.s32 s8, s2  }
0x87: {  	[tilespmem:s20], [sflag:$0x4] =	stream.linear.gather [spmem:s8], $0x2800, $0x38;
	[tilespmem:$0x1E180] =	vst v63  }
0x88: {  	s16 =	smul.u32 $0x500, s9;
	_ =	swait.ge [sflag:s28], $0x2800  }
0x89: {  	[sflag:s28] =	ssyncset.done $0x0  }
0x8a: {  	s12 =	simm.s32 $0x0;
	s8 =	sadd.s32 s6, s16;
	[sflag:s28] =	ssyncadd.s32 $0xFFFFD800  }
0x8b: {  	[tilespmem:s29], [sflag:$0x4] =	stream.linear.gather [hbm4b:s8+s12], $0x2800, $0x38;
	[tilespmem:$0x1E180] =	vst v63  }
0x8c: {  	_ =	swait.ge [sflag:s28], $0x2800  }
0x8d: {  	[sflag:s28] =	ssyncset.done $0x0  }
0x8e: {  	s8 =	simm.s32 $0x0;
	[sflag:s28] =	ssyncadd.s32 $0xFFFFD800  }
0x8f: {  	v1 =	vld [tilespmem:s8+$0x1B980];
	_ =	sdelay $0x4  }
0x90: {  	v1 =	vadd.f32 $9.999999930e-09, v1;
	_ =	sdelay $0x1  }
0x91: {  	(erf) = vrcp.f32 v1;
	_ =	sdelay $0x2  }
0x92: {  	s14 =	simm.s32 $0x80  }
0x93: {  	v1 =	vld [tilespmem:s14+$0x1B980]  }
0x94: {  	v2 =	vld [tilespmem:s8+$0x13980]  }
0x95: {  	v3 =	vld [tilespmem:s8+$0x13990]  }
0x96: {  	v5 =	vld [tilespmem:s8+$0x139A0]  }
0x97: {  	v6 =	vld [tilespmem:s8+$0x139B0]  }
0x98: {  	v8 =	vld [tilespmem:s8+$0x139C0];
	v1 =	vadd.f32 $9.999999930e-09, v1;
	v10 =	vpop (erf)  }
0x99: {  	v9 =	vld [tilespmem:s8+$0x139D0];
	v2 =	vmul.f32 v10, v2  }
0x9a: {  	s12 =	simm.s32 $0x100;
	v11 =	vld [tilespmem:s8+$0x139E0];
	(erf) = vrcp.f32 v1  }
0x9b: {  	v12 =	vld [tilespmem:s12+$0x1B980];
	[tilespmem:s8+$0x13980] =	vst v2;
	v2 =	vmul.f32 v3, v10  }
0x9c: {  	v13 =	vld [tilespmem:s8+$0x139F0];
	v3 =	vmul.f32 v5, v10  }
0x9d: {  	v1 =	vmul.f32 v6, v10;
	v4 =	vld [tilespmem:s14+$0x13980];
	[tilespmem:s8+$0x13990] =	vst v2  }
0x9e: {  	v2 =	vld [tilespmem:s14+$0x13990];
	[tilespmem:s8+$0x139A0] =	vst v3  }
0x9f: {  	v3 =	vmul.f32 v8, v10;
	v7 =	vld [tilespmem:s14+$0x139A0];
	[tilespmem:s8+$0x139B0] =	vst v1;
	v1 =	vmul.f32 v9, v10;
	_ =	sdelay $0x1  }
0xa0: {  	v9 =	vmul.f32 v11, v10;
	v11 =	vadd.f32 $9.999999930e-09, v12;
	v5 =	vld [tilespmem:s14+$0x139B0];
	[tilespmem:s8+$0x139C0] =	vst v3  }
0xa1: {  	v8 =	vmul.f32 v13, v10;
	v3 =	vld [tilespmem:s14+$0x139C0];
	[tilespmem:s8+$0x139D0] =	vst v1  }
0xa2: {  	s15 =	simm.s32 $0x600;
	(erf) = vrcp.f32 v11;
	v6 =	vld [tilespmem:s14+$0x139D0];
	[tilespmem:s8+$0x139E0] =	vst v9;
	v1 =	vpop (erf)  }
.LBB2_14:
0xa3: {  	s16 =	sshra.s32 s15, $0x2;
	p2 =	sne.s32 s15, $0x9E00;
	s15 =	sadd.s32 $0x200, s15;
	v4 =	vmul.f32 v1, v4;
	v9 =	vld [tilespmem:s14+$0x139E0];
	[tilespmem:s8+$0x139F0] =	vst v8  }
0xa4: {  	v2 =	vmul.f32 v2, v1;
	s8 =	smov.u32 s14;
	s14 =	smov.u32 s12;
	v8 =	vld [tilespmem:s16+$0x1B980];
	v7 =	vmul.f32 v7, v1;
	s12 =	smov.u32 s16  }
0xa5: {  	[tilespmem:s8+$0x13980] =	vst v4;
	v5 =	vmul.f32 v5, v1;
	v10 =	vld [tilespmem:s8+$0x139F0]  }
0xa6: {  	v4 =	vld [tilespmem:s14+$0x13980];
	[tilespmem:s8+$0x13990] =	vst v2;
	v3 =	vmul.f32 v3, v1  }
.Ltmp13:
0xa7: {  	v2 =	vld [tilespmem:s14+$0x13990];
	[tilespmem:s8+$0x139A0] =	vst v7;
	v6 =	vmul.f32 v6, v1;
	(pc) =	sbr.rel @p2 .LBB2_14-.Ltmp13, $4  }
0xa8: {  	v7 =	vld [tilespmem:s14+$0x139A0];
	[tilespmem:s8+$0x139B0] =	vst v5;
	v9 =	vmul.f32 v9, v1  }
0xa9: {  	v11 =	vadd.f32 $9.999999930e-09, v8;
	v5 =	vld [tilespmem:s14+$0x139B0];
	[tilespmem:s8+$0x139C0] =	vst v3  }
0xaa: {  	v3 =	vld [tilespmem:s14+$0x139C0];
	[tilespmem:s8+$0x139D0] =	vst v6;
	v8 =	vmul.f32 v10, v1  }
0xab: {  	(erf) = vrcp.f32 v11;
	v6 =	vld [tilespmem:s14+$0x139D0];
	v1 =	vpop (erf);
	[tilespmem:s8+$0x139E0] =	vst v9  }
0xac: {  	_ = 	snop  }
0xad: {  	v4 =	vmul.f32 v1, v4  }
0xae: {  	v9 =	vld [tilespmem:s14+$0x139E0];
	[tilespmem:s8+$0x139F0] =	vst v8;
	v2 =	vmul.f32 v2, v1  }
0xaf: {  	v61 =	vld [tilespmem:s14+$0x139F0];
	v7 =	vmul.f32 v7, v1;
	[tilespmem:s14+$0x13980] =	vst v4  }
0xb0: {  	v5 =	vmul.f32 v5, v1;
	v8 =	vld [tilespmem:s12+$0x13980];
	[tilespmem:s14+$0x13990] =	vst v2  }
0xb1: {  	v3 =	vmul.f32 v3, v1;
	v2 =	vld [tilespmem:s12+$0x13990];
	[tilespmem:s14+$0x139A0] =	vst v7  }
0xb2: {  	v6 =	vmul.f32 v6, v1;
	v7 =	vld [tilespmem:s12+$0x139A0];
	[tilespmem:s14+$0x139B0] =	vst v5  }
0xb3: {  	v9 =	vmul.f32 v9, v1;
	v5 =	vld [tilespmem:s12+$0x139B0];
	[tilespmem:s14+$0x139C0] =	vst v3  }
0xb4: {  	v1 =	vmul.f32 v61, v1;
	v3 =	vld [tilespmem:s12+$0x139C0];
	[tilespmem:s14+$0x139D0] =	vst v6;
	v62 =	vpop (erf)  }
0xb5: {  	v6 =	vld [tilespmem:s12+$0x139D0];
	[tilespmem:s14+$0x139E0] =	vst v9;
	v8 =	vmul.f32 v62, v8  }
0xb6: {  	v9 =	vld [tilespmem:s12+$0x139E0];
	[tilespmem:s14+$0x139F0] =	vst v1;
	v1 =	vmul.f32 v2, v62  }
0xb7: {  	v2 =	vmul.f32 v7, v62;
	v63 =	vld [tilespmem:s12+$0x139F0];
	[tilespmem:s12+$0x13980] =	vst v8  }
0xb8: {  	v5 =	vmul.f32 v5, v62;
	[tilespmem:s12+$0x13990] =	vst v1  }
0xb9: {  	v1 =	vmul.f32 v3, v62;
	[tilespmem:s12+$0x139A0] =	vst v2  }
0xba: {  	s16 =	smul.u32 $0x5000, s9;
	v2 =	vmul.f32 v6, v62;
	[tilespmem:s12+$0x139B0] =	vst v5  }
0xbb: {  	v3 =	vmul.f32 v9, v62;
	[tilespmem:s12+$0x139C0] =	vst v1  }
0xbc: {  	s8 =	sor.u32 s5, s16;
	[tilespmem:s12+$0x139D0] =	vst v2;
	v1 =	vmul.f32 v63, v62  }
0xbd: {  	s8 =	sshrl.u32 s8, $0x3;
	[tilespmem:s12+$0x139E0] =	vst v3  }
.Ltmp14:
0xbe: {  	s8 =	sadd.s32 s1, s8;
	[tilespmem:s12+$0x139F0] =	vst v1;
	(pc) =	sbr.rel .LBB2_16-.Ltmp14, $4  }
0xbf: {  	[hbm4b:s8+s23] =	stream.strided.scatter [tilespmem:s20], [sflag:$0x3], $0x2800, s24, s23, $0x38;
	[tilespmem:$0x1E180] =	vst v63  }
0xc0: {  	_ =	swait.ge [sflag:s21], $0x2800  }
0xc1: {  	[sflag:s21] =	ssyncset.done $0x0  }
0xc2: {  	[sflag:s21] =	ssyncadd.s32 $0xFFFFD800  }
.LBB2_18:
0xc3: {  	_ =	sfence.sel $0x180000  }
0xc4: {  	[bflag:$0x0] =	sbarrier.arrive $0xFFFF  }
0xc5: {  	_ =	strace $0x9000004A  }
0xc6: {  	[bflag:$0x2] =	sbarrier.arrive $0xFFFF  }
0xc7: {  	p0 =	sne.s32 s4, $0x0;
	s0 =	rddreg [dreg:$0x5]  }
0xc8: {  	s0 =	sadd.s32 @!p0 $0x100000, s0  }
0xc9: {  	[sflag:s0] =	ssyncadd.tile.s32 @!p0 $0x1;
	_ =	shalt  }
.Lfunc_end2:
_tile_overlayer_lowered:
.L_overlay_start_2:
0xca: {  	(tag) =	ssettag $0x2  }
0xcb: {  	s0 =	rddreg [dreg:$0x0];
	s2 =	stileid.u32  }
0xcc: {  	s1 =	rddreg [dreg:$0x1];
	p0 =	sne.s32 s2, $0x0  }
0xcd: {  	s3 =	rddreg [dreg:$0x2];
	[bflag:$0x3] =	sbarrier.arrive $0xFFFF;
	s2 =	simm.s32 @!p0 $0x1C03  }
0xce: {  	[timem:s3], [sflag:s2] =	dma.local @!p0 [hbm:s0], s1  }
0xcf: {  	s0 =	simm.s32 @!p0 $0x3  }
0xd0: {  	_ =	swait.ge @!p0 [sflag:s0], s1  }
0xd1: {  	s1 =	ssub.s32 @!p0 $0x0, s1;
	[sflag:s0] =	ssyncset.done @!p0 $0x0  }
0xd2: {  	[sflag:s0] =	ssyncadd.s32 @!p0 s1  }
0xd3: {  	[bflag:$0x3] =	sbarrier.arrive $0xFFFF  }
0xd4: {  	_ =	shalt  }

</sc_bundles>
